<compile_context>
chip_gen: v7x
topology: tpu7x:2x2x1
jax: 0.10.2.dev20260603
libtpu: 0.0.44.dev20260713+nightly
codegen_flags: <defaults>
</compile_context>

<pallas_src>
import functools

import jax
import jax.numpy as jnp
from jax import lax
from jax.experimental import pallas as pl
from jax.experimental.pallas import tpu as pltpu
from jax.experimental.pallas import tpu_sc as plsc

_B = 4
_N = 2048
_K = 32
_NW = 32
_TPW = _B * _N // _NW
_RPW = _TPW
_EPW = _RPW * _K

_RB = 256
_NBLK = _N // _RB

_RE = 2048
_NEB = _B * _N * _K // _RE



def _sc_gather_x(coords_pad, t2c_flat):
    mesh = plsc.VectorSubcoreMesh(core_axis_name="c", subcore_axis_name="s")

    @functools.partial(
        pl.kernel,
        mesh=mesh,
        out_type=jax.ShapeDtypeStruct((_B * _N, 128), jnp.float32),
        scratch_types=[
            pltpu.VMEM((_TPW,), jnp.int32),
            pltpu.VMEM((_TPW, 128), jnp.float32),
            pltpu.SemaphoreType.DMA,
        ],
    )
    def k(coords_hbm, idx_hbm, out_hbm, idx_v, rows_v, sem):
        wid = lax.axis_index("s") * 2 + lax.axis_index("c")
        base = wid * _TPW
        pltpu.sync_copy(idx_hbm.at[pl.ds(base, _TPW)], idx_v)
        bb = (base // _N) * _N
        for c in range(_TPW // 16):
            sl = pl.ds(c * 16, 16)
            idx_v[sl] = idx_v[sl] + bb
        pltpu.async_copy(coords_hbm.at[idx_v], rows_v, sem).wait()
        pltpu.sync_copy(rows_v, out_hbm.at[pl.ds(base, _TPW)])

    return k(coords_pad, t2c_flat)


def _sc_edges(eidx_flat, tb2, res_flat, asym_flat, lig_flat):
    mesh = plsc.VectorSubcoreMesh(core_axis_name="c", subcore_axis_name="s")
    nedges = _B * _N * _K

    @functools.partial(
        pl.kernel,
        mesh=mesh,
        out_type=(
            jax.ShapeDtypeStruct((nedges,), jnp.float32),
            jax.ShapeDtypeStruct((nedges,), jnp.float32),
        ),
        compiler_params=pltpu.CompilerParams(needs_layout_passes=False),
        scratch_types=[
            pltpu.VMEM((_EPW,), jnp.int32),
            pltpu.VMEM((_B * _N,), jnp.int32),
            pltpu.VMEM((_B * _N,), jnp.int32),
            pltpu.VMEM((_B * _N,), jnp.int32),
            pltpu.VMEM((_N,), jnp.float32),
            pltpu.VMEM((_EPW,), jnp.float32),
            pltpu.VMEM((_EPW,), jnp.float32),
        ],
    )
    def k(eidx_hbm, tb_hbm, res_hbm, asym_hbm, lig_hbm, dpos_hbm, tbg_hbm,
          eidx_v, res_v, asym_v, lig_v, row_v, dpos_v, tbg_v):
        wid = lax.axis_index("s") * 2 + lax.axis_index("c")
        rbase = wid * _RPW
        ebase = wid * _EPW
        pltpu.sync_copy(eidx_hbm.at[pl.ds(ebase, _EPW)], eidx_v)
        pltpu.sync_copy(res_hbm, res_v)
        pltpu.sync_copy(asym_hbm, asym_v)
        pltpu.sync_copy(lig_hbm, lig_v)

        def row_body(r, carry):
            i_flat = rbase + r
            pltpu.sync_copy(tb_hbm.at[i_flat], row_v)
            bb = (i_flat // _N) * _N
            iq = jnp.full((16,), i_flat, jnp.int32)
            res_q = plsc.load_gather(res_v, [iq])
            asym_q = plsc.load_gather(asym_v, [iq])
            lig_q = plsc.load_gather(lig_v, [iq])
            for c in range(_K // 16):
                off = r * _K + c * 16
                sl = pl.ds(off, 16)
                jj = eidx_v[sl]
                tok = jj + bb
                res_nb = plsc.load_gather(res_v, [tok])
                asym_nb = plsc.load_gather(asym_v, [tok])
                lig_nb = plsc.load_gather(lig_v, [tok])
                tbv = plsc.load_gather(row_v, [jj])
                offs = res_q - res_nb
                t = jnp.clip(offs + 32, 0, 64)
                dfe = jnp.where(asym_q == asym_nb, t, 65).astype(jnp.float32)
                ligm = ((lig_q | lig_nb) > 0).astype(jnp.float32)
                dpos_v[sl] = dfe
                tbg_v[sl] = tbv * ligm
            return carry

        lax.fori_loop(0, _RPW, row_body, 0)
        pltpu.sync_copy(dpos_v, dpos_hbm.at[pl.ds(ebase, _EPW)])
        pltpu.sync_copy(tbg_v, tbg_hbm.at[pl.ds(ebase, _EPW)])

    return k(eidx_flat, tb2, res_flat, asym_flat, lig_flat)



def _topk_body(fa_ref, fq_ref, eidx_ref, dnb_ref):
    xall = fa_ref[0, 0:1, :]
    yall = fa_ref[0, 1:2, :]
    zall = fa_ref[0, 2:3, :]
    xq = fq_ref[0, 0, :, 0:1]
    yq = fq_ref[0, 0, :, 1:2]
    zq = fq_ref[0, 0, :, 2:3]
    dx = xq - xall
    dy = yq - yall
    dz = zq - zall
    d2 = (dx * dx + dy * dy) + dz * dz
    iota = lax.broadcasted_iota(jnp.int32, (1, _N), 1)
    kio = lax.broadcasted_iota(jnp.int32, (1, _K), 1)
    m0 = jnp.min(d2, axis=1, keepdims=True)

    def step(k, carry):
        dcur, m, eacc, dacc = carry
        cand = jnp.where(dcur == m, iota, _N)
        j = jnp.min(cand, axis=1, keepdims=True)
        hitk = kio == k
        eacc = jnp.where(hitk, j, eacc)
        dacc = jnp.where(hitk, m, dacc)
        dcur = jnp.where(iota == j, jnp.inf, dcur)
        m = jnp.min(dcur, axis=1, keepdims=True)
        return dcur, m, eacc, dacc

    eacc0 = jnp.zeros((_RB, _K), jnp.int32)
    dacc0 = jnp.zeros((_RB, _K), jnp.float32)
    _, _, eacc, dacc = lax.fori_loop(0, _K, step, (d2, m0, eacc0, dacc0))
    eidx_ref[0] = eacc
    dnb_ref[0] = jnp.sqrt(dacc + 1e-6)


def _tc_topk(feat_all, feat_q):
    return pl.pallas_call(
        _topk_body,
        grid=(_B, _NBLK),
        in_specs=[
            pl.BlockSpec((1, 8, _N), lambda b, blk: (b, 0, 0)),
            pl.BlockSpec((1, 1, _RB, 8), lambda b, blk: (b, blk, 0, 0)),
        ],
        out_specs=(
            pl.BlockSpec((1, _RB, _K), lambda b, blk: (b, blk, 0)),
            pl.BlockSpec((1, _RB, _K), lambda b, blk: (b, blk, 0)),
        ),
        out_shape=(
            jax.ShapeDtypeStruct((_B, _N, _K), jnp.int32),
            jax.ShapeDtypeStruct((_B, _N, _K), jnp.float32),
        ),
    )(feat_all, feat_q)


def _edges_body(aux_ref, wpos_ref, wrbf_ref, wtb_ref, bias_ref, gam_ref,
                bet_ref, out_ref):
    d_col = aux_ref[0, :, 0:1]
    dn_col = aux_ref[0, :, 1:2]
    tb_col = aux_ref[0, :, 2:3]
    iota66 = lax.broadcasted_iota(jnp.int32, (1, 66), 1).astype(jnp.float32)
    oh = (d_col == iota66).astype(jnp.float32)
    mu = 2.0 + (20.0 / 15.0) * lax.broadcasted_iota(
        jnp.int32, (1, 16), 1).astype(jnp.float32)
    z = (dn_col - mu) / 1.25
    rbf = jnp.exp(-(z * z))
    e = (jnp.dot(oh, wpos_ref[...], preferred_element_type=jnp.float32)
         + jnp.dot(rbf, wrbf_ref[...], preferred_element_type=jnp.float32)
         + tb_col * wtb_ref[...]
         + bias_ref[...])
    mean = jnp.sum(e, axis=1, keepdims=True) * (1.0 / 128.0)
    xc = e - mean
    var = jnp.sum(xc * xc, axis=1, keepdims=True) * (1.0 / 128.0)
    out_ref[...] = xc * lax.rsqrt(var + 1e-5) * gam_ref[...] + bet_ref[...]


def _tc_edges(aux, wpos_f, wrbf, wtb, bias, gam, bet):
    return pl.pallas_call(
        _edges_body,
        grid=(_NEB,),
        in_specs=[
            pl.BlockSpec((1, _RE, 8), lambda e: (e, 0, 0)),
            pl.BlockSpec((66, 128), lambda e: (0, 0)),
            pl.BlockSpec((16, 128), lambda e: (0, 0)),
            pl.BlockSpec((1, 128), lambda e: (0, 0)),
            pl.BlockSpec((1, 128), lambda e: (0, 0)),
            pl.BlockSpec((1, 128), lambda e: (0, 0)),
            pl.BlockSpec((1, 128), lambda e: (0, 0)),
        ],
        out_specs=pl.BlockSpec((_RE, 128), lambda e: (e, 0)),
        out_shape=jax.ShapeDtypeStruct((_B * _N * _K, 128), jnp.float32),
    )(aux, wpos_f, wrbf, wtb, bias, gam, bet)



def kernel(coords, token_to_center_atom, token_exists_mask, residue_index,
           asym_id, token_bonds, is_ligand, W_pos, b_pos, W_edge,
           ln_gamma, ln_beta):
    coords_pad = jnp.pad(coords.reshape(_B * _N, 3), ((0, 0), (0, 125)))
    t2c_flat = token_to_center_atom.reshape(_B * _N).astype(jnp.int32)
    xg = _sc_gather_x(coords_pad, t2c_flat)
    x = xg[:, :3].reshape(_B, _N, 3) * token_exists_mask[..., None]

    feat_all = jnp.pad(x.transpose(0, 2, 1), ((0, 0), (0, 5), (0, 0)))
    feat_q = jnp.pad(x.reshape(_B, _NBLK, _RB, 3),
                     ((0, 0), (0, 0), (0, 0), (0, 5)))
    e_idx, d_nb = _tc_topk(feat_all, feat_q)

    dpos, tbg = _sc_edges(
        e_idx.reshape(-1),
        token_bonds.reshape(_B * _N, _N),
        residue_index.reshape(-1).astype(jnp.int32),
        asym_id.reshape(-1).astype(jnp.int32),
        is_ligand.reshape(-1).astype(jnp.int32),
    )

    wpos_f = jnp.dot(W_pos, W_edge[:16], preferred_element_type=jnp.float32)
    bias = jnp.dot(b_pos[None, :], W_edge[:16],
                   preferred_element_type=jnp.float32)
    aux = jnp.stack([dpos, d_nb.reshape(-1), tbg], axis=-1)
    aux = jnp.pad(aux, ((0, 0), (0, 5))).reshape(_NEB, _RE, 8)
    e_out = _tc_edges(aux, wpos_f, W_edge[16:32], W_edge[32:33], bias,
                      ln_gamma[None, :], ln_beta[None, :])

    return (e_out.reshape(_B, _N, _K, 128), e_idx, d_nb)

# --- scband reference (transcript-rebuilt; emitter-appended) ---
"""Pipeline reference for scband-token-features-69449621176816 (READ-ONLY COPY).

The authoritative reference and input builder live on the scoring server;
editing this copy changes nothing except your own understanding.
"""

import jax, jax.numpy as jnp
import numpy as np

B, N, K = 4, 2048, 32
NUM_RBF = 16
NUM_POS = 16
EDGE_CH = 128
MAXREL = 32
EDGE_IN = NUM_POS + NUM_RBF + 1


def setup_inputs(seed: int = 0) -> dict:
    key = jax.random.key(seed)
    ks = jax.random.split(key, 8)
    coords = jax.random.normal(ks[0], (B, N, 3), dtype=jnp.float32) * 10.0
    token_to_center_atom = jax.random.randint(ks[1], (B, N), 0, N)
    token_exists_mask = jnp.ones((B, N), dtype=jnp.float32)
    residue_index = jnp.arange(B * N, dtype=jnp.int32).reshape(B, N)
    asym_id = jax.random.randint(ks[2], (B, N), 0, 4)
    token_bonds = jax.random.uniform(ks[3], (B, N, N), dtype=jnp.float32)
    is_ligand = jax.random.randint(ks[4], (B, N), 0, 2).astype(jnp.bool_)
    W_pos = jax.random.normal(ks[5], (2 * MAXREL + 2, NUM_POS), dtype=jnp.float32) * 0.1
    b_pos = jnp.zeros((NUM_POS,), dtype=jnp.float32)
    W_edge = jax.random.normal(ks[6], (EDGE_IN, EDGE_CH), dtype=jnp.float32) * 0.05
    ln_gamma = jnp.ones((EDGE_CH,), dtype=jnp.float32)
    ln_beta = jnp.zeros((EDGE_CH,), dtype=jnp.float32)
    return {"coords": coords, "token_to_center_atom": token_to_center_atom,
            "token_exists_mask": token_exists_mask, "residue_index": residue_index,
            "asym_id": asym_id, "token_bonds": token_bonds, "is_ligand": is_ligand,
            "W_pos": W_pos, "b_pos": b_pos, "W_edge": W_edge,
            "ln_gamma": ln_gamma, "ln_beta": ln_beta}


def _gather_edges(edges, E_idx):
    # edges: [B, N, N, C], E_idx: [B, N, K] -> [B, N, K, C]
    idx = jnp.broadcast_to(E_idx[..., None], E_idx.shape + (edges.shape[-1],))
    return jnp.take_along_axis(edges, idx, axis=2)


def _rbf(D):
    D_mu = jnp.linspace(2.0, 22.0, NUM_RBF).reshape(1, 1, 1, -1)
    D_sigma = (22.0 - 2.0) / NUM_RBF
    return jnp.exp(-(((D[..., None] - D_mu) / D_sigma) ** 2))


def reference(coords, token_to_center_atom, token_exists_mask, residue_index,
              asym_id, token_bonds, is_ligand, W_pos, b_pos, W_edge, ln_gamma, ln_beta):
    # token coords via center-atom gather
    X = coords[jnp.arange(B)[:, None], token_to_center_atom]
    X = X * token_exists_mask[..., None]
    # pairwise distances + kNN (smallest-k via top_k on negated dists)
    mask = token_exists_mask
    mask_2D = mask[:, None, :] * mask[:, :, None]
    dX = X[:, None, :, :] - X[:, :, None, :]
    D = mask_2D * jnp.sqrt(jnp.sum(dX ** 2, axis=-1) + 1e-6)
    D_max = jnp.max(D, axis=-1, keepdims=True)
    D_adjust = D + (1.0 - mask_2D) * D_max
    neg_vals, E_idx = jax.lax.top_k(-D_adjust, K)
    D_neighbors = -neg_vals
    RBF_all = _rbf(D_neighbors)
    # relative positional features
    offset = residue_index[:, :, None] - residue_index[:, None, :]
    offset_g = _gather_edges(offset[..., None], E_idx)[..., 0]
    chain_labels = asym_id  # use_multichain_encoding=True
    d_chains = (chain_labels[:, :, None] - chain_labels[:, None, :] == 0).astype(jnp.int32)
    E_chains = _gather_edges(d_chains[..., None], E_idx)[..., 0]
    d = jnp.clip(offset_g + MAXREL, 0, 2 * MAXREL) * E_chains + (1 - E_chains) * (2 * MAXREL + 1)
    d_onehot = jax.nn.one_hot(d, 2 * MAXREL + 2, dtype=jnp.float32)
    E_positional = d_onehot @ W_pos + b_pos
    # token bonds
    tb_mask = is_ligand[:, :, None] | is_ligand[:, None, :]
    tb = (token_bonds * tb_mask.astype(jnp.float32))[..., None]
    tb_g = _gather_edges(tb, E_idx)
    # edge embedding + layernorm
    E = jnp.concatenate([E_positional, RBF_all, tb_g], axis=-1)
    E = E @ W_edge
    mu = jnp.mean(E, axis=-1, keepdims=True)
    var = jnp.var(E, axis=-1, keepdims=True)
    E = (E - mu) / jnp.sqrt(var + 1e-5) * ln_gamma + ln_beta
    return (E, E_idx, D_neighbors)

if __name__ == "__main__":
    import jax
    _d = setup_inputs()
    print(jax.jit(kernel)(*tuple(_d.values())))

</pallas_src>

<mosaic_0001>
#map = affine_map<(d0, d1) -> (0)>
#map1 = affine_map<(d0, d1) -> (0, 0)>
module attributes {stable_mosaic.version = 14 : i64} {
  func.func @k(%arg0: i32, %arg1: i32, %arg2: memref<262144xi32, #tpu.memory_space<hbm>>, %arg3: memref<8192x2048xf32, #tpu.memory_space<hbm>>, %arg4: memref<8192xi32, #tpu.memory_space<hbm>>, %arg5: memref<8192xi32, #tpu.memory_space<hbm>>, %arg6: memref<8192xi32, #tpu.memory_space<hbm>>, %arg7: memref<262144xf32, #tpu.memory_space<hbm>>, %arg8: memref<262144xf32, #tpu.memory_space<hbm>>, %arg9: memref<8192xi32, #tpu.memory_space<vmem>>, %arg10: memref<8192xi32, #tpu.memory_space<vmem>>, %arg11: memref<8192xi32, #tpu.memory_space<vmem>>, %arg12: memref<8192xi32, #tpu.memory_space<vmem>>, %arg13: memref<2048xf32, #tpu.memory_space<vmem>>, %arg14: memref<8192xf32, #tpu.memory_space<vmem>>, %arg15: memref<8192xf32, #tpu.memory_space<vmem>>) attributes {dimension_semantics = [#tpu.dimension_semantics<core_parallel>, #tpu.dimension_semantics<subcore_parallel>], iteration_bounds = array<i64: 2, 16>, scalar_prefetch = 0 : i64, scratch_operands = 7 : i64, tpu.core_type = #tpu.core_type<sc_vector_subcore>, window_params = [{transform_indices = #map}, {transform_indices = #map1}, {transform_indices = #map}, {transform_indices = #map}, {transform_indices = #map}, {transform_indices = #map}, {transform_indices = #map}]} {
    %mul3A = arith.constant 2 : i32
    %mul3A_0 = arith.muli %arg1, %mul3A : i32
    %add3A = arith.addi %mul3A_0, %arg0 : i32
    %mul3A_1 = arith.constant 256 : i32
    %mul3A_2 = arith.muli %add3A, %mul3A_1 : i32
    %mul3A_3 = arith.constant 8192 : i32
    %mul3A_4 = arith.muli %add3A, %mul3A_3 : i32
    "tpu.region"() ({
      %run_scoped3A = tpu.sem_alloc : memref<!tpu.dma_semaphore, #tpu.memory_space<semaphore_mem>>
      %dma_start3A = tpu.memref_slice %arg2[%mul3A_4] : memref<262144xi32, #tpu.memory_space<hbm>> -> memref<8192xi32, #tpu.memory_space<hbm>>
      %dma_start3A_10 = tpu.memref_slice %arg2[%mul3A_4] : memref<262144xi32, #tpu.memory_space<hbm>> -> memref<8192xi32, #tpu.memory_space<hbm>>
      tpu.enqueue_dma source(%dma_start3A_10 : memref<8192xi32, #tpu.memory_space<hbm>>) target(%arg9 : memref<8192xi32, #tpu.memory_space<vmem>>) target_semaphore(%run_scoped3A : memref<!tpu.dma_semaphore, #tpu.memory_space<semaphore_mem>>)
      %dma_wait3A = tpu.memref_slice %arg2[%mul3A_4] : memref<262144xi32, #tpu.memory_space<hbm>> -> memref<8192xi32, #tpu.memory_space<hbm>>
      %dma_wait3A_11 = tpu.memref_slice %arg2[%mul3A_4] : memref<262144xi32, #tpu.memory_space<hbm>> -> memref<8192xi32, #tpu.memory_space<hbm>>
      tpu.wait_dma2 semaphore(%run_scoped3A : memref<!tpu.dma_semaphore, #tpu.memory_space<semaphore_mem>>) src(%dma_wait3A_11 : memref<8192xi32, #tpu.memory_space<hbm>>) dst(%arg9 : memref<8192xi32, #tpu.memory_space<vmem>>)
      tpu.yield
    }) : () -> ()
    "tpu.region"() ({
      %run_scoped3A = tpu.sem_alloc : memref<!tpu.dma_semaphore, #tpu.memory_space<semaphore_mem>>
      tpu.enqueue_dma source(%arg4 : memref<8192xi32, #tpu.memory_space<hbm>>) target(%arg10 : memref<8192xi32, #tpu.memory_space<vmem>>) target_semaphore(%run_scoped3A : memref<!tpu.dma_semaphore, #tpu.memory_space<semaphore_mem>>)
      tpu.wait_dma2 semaphore(%run_scoped3A : memref<!tpu.dma_semaphore, #tpu.memory_space<semaphore_mem>>) src(%arg4 : memref<8192xi32, #tpu.memory_space<hbm>>) dst(%arg10 : memref<8192xi32, #tpu.memory_space<vmem>>)
      tpu.yield
    }) : () -> ()
    "tpu.region"() ({
      %run_scoped3A = tpu.sem_alloc : memref<!tpu.dma_semaphore, #tpu.memory_space<semaphore_mem>>
      tpu.enqueue_dma source(%arg5 : memref<8192xi32, #tpu.memory_space<hbm>>) target(%arg11 : memref<8192xi32, #tpu.memory_space<vmem>>) target_semaphore(%run_scoped3A : memref<!tpu.dma_semaphore, #tpu.memory_space<semaphore_mem>>)
      tpu.wait_dma2 semaphore(%run_scoped3A : memref<!tpu.dma_semaphore, #tpu.memory_space<semaphore_mem>>) src(%arg5 : memref<8192xi32, #tpu.memory_space<hbm>>) dst(%arg11 : memref<8192xi32, #tpu.memory_space<vmem>>)
      tpu.yield
    }) : () -> ()
    "tpu.region"() ({
      %run_scoped3A = tpu.sem_alloc : memref<!tpu.dma_semaphore, #tpu.memory_space<semaphore_mem>>
      tpu.enqueue_dma source(%arg6 : memref<8192xi32, #tpu.memory_space<hbm>>) target(%arg12 : memref<8192xi32, #tpu.memory_space<vmem>>) target_semaphore(%run_scoped3A : memref<!tpu.dma_semaphore, #tpu.memory_space<semaphore_mem>>)
      tpu.wait_dma2 semaphore(%run_scoped3A : memref<!tpu.dma_semaphore, #tpu.memory_space<semaphore_mem>>) src(%arg6 : memref<8192xi32, #tpu.memory_space<hbm>>) dst(%arg12 : memref<8192xi32, #tpu.memory_space<vmem>>)
      tpu.yield
    }) : () -> ()
    %scan3A = arith.constant 0 : i32
    %scan3A_5 = arith.constant 0 : i32
    %scan3A_6 = arith.constant 256 : i32
    %scan3A_7 = arith.addi %scan3A_5, %scan3A_6 : i32
    %scan3A_8 = arith.constant 1 : i32
    scf.for %scan3A_10 = %scan3A_5 to %scan3A_7 step %scan3A_8  : i32 {
      %add3A_11 = arith.addi %mul3A_2, %scan3A_10 : i32
      "tpu.region"() ({
        %run_scoped3A = tpu.sem_alloc : memref<!tpu.dma_semaphore, #tpu.memory_space<semaphore_mem>>
        %dma_start3A = arith.constant 0 : i32
        %dma_start3A_100 = tpu.memref_slice %arg3[%add3A_11, %dma_start3A] : memref<8192x2048xf32, #tpu.memory_space<hbm>> -> memref<1x2048xf32, #tpu.memory_space<hbm>>
        %dma_start3A_101 = tpu.memref_squeeze %dma_start3A_100 : memref<1x2048xf32, #tpu.memory_space<hbm>> -> memref<2048xf32, #tpu.memory_space<hbm>>
        %dma_start3A_102 = arith.constant 0 : i32
        %dma_start3A_103 = tpu.memref_slice %arg3[%add3A_11, %dma_start3A_102] : memref<8192x2048xf32, #tpu.memory_space<hbm>> -> memref<1x2048xf32, #tpu.memory_space<hbm>>
        %dma_start3A_104 = tpu.memref_squeeze %dma_start3A_103 : memref<1x2048xf32, #tpu.memory_space<hbm>> -> memref<2048xf32, #tpu.memory_space<hbm>>
        tpu.enqueue_dma source(%dma_start3A_104 : memref<2048xf32, #tpu.memory_space<hbm>>) target(%arg13 : memref<2048xf32, #tpu.memory_space<vmem>>) target_semaphore(%run_scoped3A : memref<!tpu.dma_semaphore, #tpu.memory_space<semaphore_mem>>)
        %dma_wait3A = arith.constant 0 : i32
        %dma_wait3A_105 = tpu.memref_slice %arg3[%add3A_11, %dma_wait3A] : memref<8192x2048xf32, #tpu.memory_space<hbm>> -> memref<1x2048xf32, #tpu.memory_space<hbm>>
        %dma_wait3A_106 = tpu.memref_squeeze %dma_wait3A_105 : memref<1x2048xf32, #tpu.memory_space<hbm>> -> memref<2048xf32, #tpu.memory_space<hbm>>
        %dma_wait3A_107 = arith.constant 0 : i32
        %dma_wait3A_108 = tpu.memref_slice %arg3[%add3A_11, %dma_wait3A_107] : memref<8192x2048xf32, #tpu.memory_space<hbm>> -> memref<1x2048xf32, #tpu.memory_space<hbm>>
        %dma_wait3A_109 = tpu.memref_squeeze %dma_wait3A_108 : memref<1x2048xf32, #tpu.memory_space<hbm>> -> memref<2048xf32, #tpu.memory_space<hbm>>
        tpu.wait_dma2 semaphore(%run_scoped3A : memref<!tpu.dma_semaphore, #tpu.memory_space<semaphore_mem>>) src(%dma_wait3A_109 : memref<2048xf32, #tpu.memory_space<hbm>>) dst(%arg13 : memref<2048xf32, #tpu.memory_space<vmem>>)
        tpu.yield
      }) : () -> ()
      %jit3A = arith.constant 2048 : i32
      %div3A = arith.divsi %add3A_11, %jit3A : i32
      %sign3A = arith.constant 0 : i32
      %sign3A_12 = arith.cmpi sgt, %add3A_11, %sign3A : i32
      %sign3A_13 = arith.extui %sign3A_12 : i1 to i32
      %sign3A_14 = arith.constant 0 : i32
      %sign3A_15 = arith.cmpi slt, %add3A_11, %sign3A_14 : i32
      %sign3A_16 = arith.extui %sign3A_15 : i1 to i32
      %sign3A_17 = arith.subi %sign3A_13, %sign3A_16 : i32
      %sign3A_18 = arith.constant 0 : i32
      %sign3A_19 = arith.cmpi sgt, %jit3A, %sign3A_18 : i32
      %sign3A_20 = arith.extui %sign3A_19 : i1 to i32
      %sign3A_21 = arith.constant 0 : i32
      %sign3A_22 = arith.cmpi slt, %jit3A, %sign3A_21 : i32
      %sign3A_23 = arith.extui %sign3A_22 : i1 to i32
      %sign3A_24 = arith.subi %sign3A_20, %sign3A_23 : i32
      %ne3A = arith.cmpi ne, %sign3A_17, %sign3A_24 : i32
      %rem3A = arith.remsi %add3A_11, %jit3A : i32
      %ne3A_25 = arith.constant 0 : i32
      %ne3A_26 = arith.cmpi ne, %rem3A, %ne3A_25 : i32
      %and3A = arith.andi %ne3A, %ne3A_26 : i1
      %sub3A = arith.constant 1 : i32
      %sub3A_27 = arith.subi %div3A, %sub3A : i32
      %select_n3A = arith.select %and3A, %sub3A_27, %div3A : i32
      %mul3A_28 = arith.constant 2048 : i32
      %mul3A_29 = arith.muli %select_n3A, %mul3A_28 : i32
      %broadcast_in_dim3A = vector.broadcast %add3A_11 : i32 to vector<16xi32>
      %gather3A = tpu.vector_load_idx %arg10[%broadcast_in_dim3A] : memref<8192xi32, #tpu.memory_space<vmem>>[vector<16xi32>], vector<16xi32>,
      %gather3A_30 = tpu.vector_load_idx %arg11[%broadcast_in_dim3A] : memref<8192xi32, #tpu.memory_space<vmem>>[vector<16xi32>], vector<16xi32>,
      %gather3A_31 = tpu.vector_load_idx %arg12[%broadcast_in_dim3A] : memref<8192xi32, #tpu.memory_space<vmem>>[vector<16xi32>], vector<16xi32>,
      %mul3A_32 = arith.constant 32 : i32
      %mul3A_33 = arith.muli %scan3A_10, %mul3A_32 : i32
      %add3A_34 = arith.constant 0 : i32
      %add3A_35 = arith.addi %mul3A_33, %add3A_34 : i32
      %get3A = arith.index_cast %add3A_35 : i32 to index
      %get3A_36 = tpu.vector_load %arg9[%get3A] {strides = array<i32>} : memref<8192xi32, #tpu.memory_space<vmem>>, vector<16xi32>,
      %add3A_37 = vector.broadcast %mul3A_29 : i32 to vector<16xi32>
      %add3A_38 = arith.addi %get3A_36, %add3A_37 : vector<16xi32>
      %gather3A_39 = tpu.vector_load_idx %arg10[%add3A_38] : memref<8192xi32, #tpu.memory_space<vmem>>[vector<16xi32>], vector<16xi32>,
      %gather3A_40 = tpu.vector_load_idx %arg11[%add3A_38] : memref<8192xi32, #tpu.memory_space<vmem>>[vector<16xi32>], vector<16xi32>,
      %gather3A_41 = tpu.vector_load_idx %arg12[%add3A_38] : memref<8192xi32, #tpu.memory_space<vmem>>[vector<16xi32>], vector<16xi32>,
      %gather3A_42 = tpu.vector_load_idx %arg13[%get3A_36] : memref<2048xf32, #tpu.memory_space<vmem>>[vector<16xi32>], vector<16xf32>,
      %sub3A_43 = arith.subi %gather3A, %gather3A_39 : vector<16xi32>
      %add3A_44 = arith.constant 32 : i32
      %add3A_45 = vector.broadcast %add3A_44 : i32 to vector<16xi32>
      %add3A_46 = arith.addi %sub3A_43, %add3A_45 : vector<16xi32>
      %jit3A_47 = arith.constant 0 : i32
      %jit3A_48 = arith.constant 64 : i32
      %max3A = vector.broadcast %jit3A_47 : i32 to vector<16xi32>
      %max3A_49 = arith.maxsi %max3A, %add3A_46 : vector<16xi32>
      %min3A = vector.broadcast %jit3A_48 : i32 to vector<16xi32>
      %min3A_50 = arith.minsi %min3A, %max3A_49 : vector<16xi32>
      %eq3A = arith.cmpi eq, %gather3A_30, %gather3A_40 : vector<16xi32>
      %jit3A_51 = arith.constant 65 : i32
      %broadcast_in_dim3A_52 = vector.broadcast %jit3A_51 : i32 to vector<16xi32>
      %select_n3A_53 = arith.select %eq3A, %min3A_50, %broadcast_in_dim3A_52 : vector<16xi1>, vector<16xi32>
      %convert_element_type3A = arith.sitofp %select_n3A_53 : vector<16xi32> to vector<16xf32>
      %or3A = arith.ori %gather3A_31, %gather3A_41 : vector<16xi32>
      %gt3A = arith.constant 0 : i32
      %gt3A_54 = vector.broadcast %gt3A : i32 to vector<16xi32>
      %gt3A_55 = arith.cmpi sgt, %or3A, %gt3A_54 : vector<16xi32>
      %convert_element_type3A_56 = arith.extui %gt3A_55 : vector<16xi1> to vector<16xi32>
      %convert_element_type3A_57 = arith.sitofp %convert_element_type3A_56 : vector<16xi32> to vector<16xf32>
      %swap3A = arith.index_cast %add3A_35 : i32 to index
      %swap3A_58 = tpu.vector_load %arg14[%swap3A] {strides = array<i32>} : memref<8192xf32, #tpu.memory_space<vmem>>, vector<16xf32>,
      tpu.vector_store %arg14[%swap3A], %convert_element_type3A {strides = array<i32>} : memref<8192xf32, #tpu.memory_space<vmem>>, vector<16xf32>,
      %mul3A_59 = arith.mulf %gather3A_42, %convert_element_type3A_57 : vector<16xf32>
      %swap3A_60 = arith.index_cast %add3A_35 : i32 to index
      %swap3A_61 = tpu.vector_load %arg15[%swap3A_60] {strides = array<i32>} : memref<8192xf32, #tpu.memory_space<vmem>>, vector<16xf32>,
      tpu.vector_store %arg15[%swap3A_60], %mul3A_59 {strides = array<i32>} : memref<8192xf32, #tpu.memory_space<vmem>>, vector<16xf32>,
      %mul3A_62 = arith.constant 32 : i32
      %mul3A_63 = arith.muli %scan3A_10, %mul3A_62 : i32
      %add3A_64 = arith.constant 16 : i32
      %add3A_65 = arith.addi %mul3A_63, %add3A_64 : i32
      %get3A_66 = arith.index_cast %add3A_65 : i32 to index
      %get3A_67 = tpu.vector_load %arg9[%get3A_66] {strides = array<i32>} : memref<8192xi32, #tpu.memory_space<vmem>>, vector<16xi32>,
      %add3A_68 = vector.broadcast %mul3A_29 : i32 to vector<16xi32>
      %add3A_69 = arith.addi %get3A_67, %add3A_68 : vector<16xi32>
      %gather3A_70 = tpu.vector_load_idx %arg10[%add3A_69] : memref<8192xi32, #tpu.memory_space<vmem>>[vector<16xi32>], vector<16xi32>,
      %gather3A_71 = tpu.vector_load_idx %arg11[%add3A_69] : memref<8192xi32, #tpu.memory_space<vmem>>[vector<16xi32>], vector<16xi32>,
      %gather3A_72 = tpu.vector_load_idx %arg12[%add3A_69] : memref<8192xi32, #tpu.memory_space<vmem>>[vector<16xi32>], vector<16xi32>,
      %gather3A_73 = tpu.vector_load_idx %arg13[%get3A_67] : memref<2048xf32, #tpu.memory_space<vmem>>[vector<16xi32>], vector<16xf32>,
      %sub3A_74 = arith.subi %gather3A, %gather3A_70 : vector<16xi32>
      %add3A_75 = arith.constant 32 : i32
      %add3A_76 = vector.broadcast %add3A_75 : i32 to vector<16xi32>
      %add3A_77 = arith.addi %sub3A_74, %add3A_76 : vector<16xi32>
      %jit3A_78 = arith.constant 0 : i32
      %jit3A_79 = arith.constant 64 : i32
      %max3A_80 = vector.broadcast %jit3A_78 : i32 to vector<16xi32>
      %max3A_81 = arith.maxsi %max3A_80, %add3A_77 : vector<16xi32>
      %min3A_82 = vector.broadcast %jit3A_79 : i32 to vector<16xi32>
      %min3A_83 = arith.minsi %min3A_82, %max3A_81 : vector<16xi32>
      %eq3A_84 = arith.cmpi eq, %gather3A_30, %gather3A_71 : vector<16xi32>
      %jit3A_85 = arith.constant 65 : i32
      %broadcast_in_dim3A_86 = vector.broadcast %jit3A_85 : i32 to vector<16xi32>
      %select_n3A_87 = arith.select %eq3A_84, %min3A_83, %broadcast_in_dim3A_86 : vector<16xi1>, vector<16xi32>
      %convert_element_type3A_88 = arith.sitofp %select_n3A_87 : vector<16xi32> to vector<16xf32>
      %or3A_89 = arith.ori %gather3A_31, %gather3A_72 : vector<16xi32>
      %gt3A_90 = arith.constant 0 : i32
      %gt3A_91 = vector.broadcast %gt3A_90 : i32 to vector<16xi32>
      %gt3A_92 = arith.cmpi sgt, %or3A_89, %gt3A_91 : vector<16xi32>
      %convert_element_type3A_93 = arith.extui %gt3A_92 : vector<16xi1> to vector<16xi32>
      %convert_element_type3A_94 = arith.sitofp %convert_element_type3A_93 : vector<16xi32> to vector<16xf32>
      %swap3A_95 = arith.index_cast %add3A_65 : i32 to index
      %swap3A_96 = tpu.vector_load %arg14[%swap3A_95] {strides = array<i32>} : memref<8192xf32, #tpu.memory_space<vmem>>, vector<16xf32>,
      tpu.vector_store %arg14[%swap3A_95], %convert_element_type3A_88 {strides = array<i32>} : memref<8192xf32, #tpu.memory_space<vmem>>, vector<16xf32>,
      %mul3A_97 = arith.mulf %gather3A_73, %convert_element_type3A_94 : vector<16xf32>
      %swap3A_98 = arith.index_cast %add3A_65 : i32 to index
      %swap3A_99 = tpu.vector_load %arg15[%swap3A_98] {strides = array<i32>} : memref<8192xf32, #tpu.memory_space<vmem>>, vector<16xf32>,
      tpu.vector_store %arg15[%swap3A_98], %mul3A_97 {strides = array<i32>} : memref<8192xf32, #tpu.memory_space<vmem>>, vector<16xf32>,
    }
    %scan3A_9 = arith.constant 256 : i32
    "tpu.region"() ({
      %run_scoped3A = tpu.sem_alloc : memref<!tpu.dma_semaphore, #tpu.memory_space<semaphore_mem>>
      %dma_start3A = tpu.memref_slice %arg7[%mul3A_4] : memref<262144xf32, #tpu.memory_space<hbm>> -> memref<8192xf32, #tpu.memory_space<hbm>>
      %dma_start3A_10 = tpu.memref_slice %arg7[%mul3A_4] : memref<262144xf32, #tpu.memory_space<hbm>> -> memref<8192xf32, #tpu.memory_space<hbm>>
      tpu.enqueue_dma source(%arg14 : memref<8192xf32, #tpu.memory_space<vmem>>) target(%dma_start3A_10 : memref<8192xf32, #tpu.memory_space<hbm>>) target_semaphore(%run_scoped3A : memref<!tpu.dma_semaphore, #tpu.memory_space<semaphore_mem>>)
      %dma_wait3A = tpu.memref_slice %arg7[%mul3A_4] : memref<262144xf32, #tpu.memory_space<hbm>> -> memref<8192xf32, #tpu.memory_space<hbm>>
      %dma_wait3A_11 = tpu.memref_slice %arg7[%mul3A_4] : memref<262144xf32, #tpu.memory_space<hbm>> -> memref<8192xf32, #tpu.memory_space<hbm>>
      tpu.wait_dma2 semaphore(%run_scoped3A : memref<!tpu.dma_semaphore, #tpu.memory_space<semaphore_mem>>) src(%arg14 : memref<8192xf32, #tpu.memory_space<vmem>>) dst(%dma_wait3A_11 : memref<8192xf32, #tpu.memory_space<hbm>>)
      tpu.yield
    }) : () -> ()
    "tpu.region"() ({
      %run_scoped3A = tpu.sem_alloc : memref<!tpu.dma_semaphore, #tpu.memory_space<semaphore_mem>>
      %dma_start3A = tpu.memref_slice %arg8[%mul3A_4] : memref<262144xf32, #tpu.memory_space<hbm>> -> memref<8192xf32, #tpu.memory_space<hbm>>
      %dma_start3A_10 = tpu.memref_slice %arg8[%mul3A_4] : memref<262144xf32, #tpu.memory_space<hbm>> -> memref<8192xf32, #tpu.memory_space<hbm>>
      tpu.enqueue_dma source(%arg15 : memref<8192xf32, #tpu.memory_space<vmem>>) target(%dma_start3A_10 : memref<8192xf32, #tpu.memory_space<hbm>>) target_semaphore(%run_scoped3A : memref<!tpu.dma_semaphore, #tpu.memory_space<semaphore_mem>>)
      %dma_wait3A = tpu.memref_slice %arg8[%mul3A_4] : memref<262144xf32, #tpu.memory_space<hbm>> -> memref<8192xf32, #tpu.memory_space<hbm>>
      %dma_wait3A_11 = tpu.memref_slice %arg8[%mul3A_4] : memref<262144xf32, #tpu.memory_space<hbm>> -> memref<8192xf32, #tpu.memory_space<hbm>>
      tpu.wait_dma2 semaphore(%run_scoped3A : memref<!tpu.dma_semaphore, #tpu.memory_space<semaphore_mem>>) src(%arg15 : memref<8192xf32, #tpu.memory_space<vmem>>) dst(%dma_wait3A_11 : memref<8192xf32, #tpu.memory_space<hbm>>)
      tpu.yield
    }) : () -> ()
    return
  }
}

#map = affine_map<(d0, d1) -> (0, 0)>
#map1 = affine_map<(d0, d1) -> (0)>
module attributes {stable_mosaic.version = 14 : i64} {
  func.func @k(%arg0: i32, %arg1: i32, %arg2: memref<8192x128xf32, #tpu.memory_space<hbm>>, %arg3: memref<8192xi32, #tpu.memory_space<hbm>>, %arg4: memref<8192x128xf32, #tpu.memory_space<hbm>>, %arg5: memref<256xi32, #tpu.memory_space<vmem>>, %arg6: memref<256x128xf32, #tpu.memory_space<vmem>>, %arg7: memref<!tpu.dma_semaphore, #tpu.memory_space<semaphore_mem>>) attributes {dimension_semantics = [#tpu.dimension_semantics<core_parallel>, #tpu.dimension_semantics<subcore_parallel>], iteration_bounds = array<i64: 2, 16>, scalar_prefetch = 0 : i64, scratch_operands = 3 : i64, tpu.core_type = #tpu.core_type<sc_vector_subcore>, window_params = [{transform_indices = #map}, {transform_indices = #map1}, {transform_indices = #map}]} {
    %mul3A = arith.constant 2 : i32
    %mul3A_0 = arith.muli %arg1, %mul3A : i32
    %add3A = arith.addi %mul3A_0, %arg0 : i32
    %mul3A_1 = arith.constant 256 : i32
    %mul3A_2 = arith.muli %add3A, %mul3A_1 : i32
    "tpu.region"() ({
      %run_scoped3A = tpu.sem_alloc : memref<!tpu.dma_semaphore, #tpu.memory_space<semaphore_mem>>
      %dma_start3A_167 = tpu.memref_slice %arg3[%mul3A_2] : memref<8192xi32, #tpu.memory_space<hbm>> -> memref<256xi32, #tpu.memory_space<hbm>>
      %dma_start3A_168 = tpu.memref_slice %arg3[%mul3A_2] : memref<8192xi32, #tpu.memory_space<hbm>> -> memref<256xi32, #tpu.memory_space<hbm>>
      tpu.enqueue_dma source(%dma_start3A_168 : memref<256xi32, #tpu.memory_space<hbm>>) target(%arg5 : memref<256xi32, #tpu.memory_space<vmem>>) target_semaphore(%run_scoped3A : memref<!tpu.dma_semaphore, #tpu.memory_space<semaphore_mem>>)
      %dma_wait3A_169 = tpu.memref_slice %arg3[%mul3A_2] : memref<8192xi32, #tpu.memory_space<hbm>> -> memref<256xi32, #tpu.memory_space<hbm>>
      %dma_wait3A_170 = tpu.memref_slice %arg3[%mul3A_2] : memref<8192xi32, #tpu.memory_space<hbm>> -> memref<256xi32, #tpu.memory_space<hbm>>
      tpu.wait_dma2 semaphore(%run_scoped3A : memref<!tpu.dma_semaphore, #tpu.memory_space<semaphore_mem>>) src(%dma_wait3A_170 : memref<256xi32, #tpu.memory_space<hbm>>) dst(%arg5 : memref<256xi32, #tpu.memory_space<vmem>>)
      tpu.yield
    }) : () -> ()
    %jit3A = arith.constant 2048 : i32
    %div3A = arith.divsi %mul3A_2, %jit3A : i32
    %sign3A = arith.constant 0 : i32
    %sign3A_3 = arith.cmpi sgt, %mul3A_2, %sign3A : i32
    %sign3A_4 = arith.extui %sign3A_3 : i1 to i32
    %sign3A_5 = arith.constant 0 : i32
    %sign3A_6 = arith.cmpi slt, %mul3A_2, %sign3A_5 : i32
    %sign3A_7 = arith.extui %sign3A_6 : i1 to i32
    %sign3A_8 = arith.subi %sign3A_4, %sign3A_7 : i32
    %sign3A_9 = arith.constant 0 : i32
    %sign3A_10 = arith.cmpi sgt, %jit3A, %sign3A_9 : i32
    %sign3A_11 = arith.extui %sign3A_10 : i1 to i32
    %sign3A_12 = arith.constant 0 : i32
    %sign3A_13 = arith.cmpi slt, %jit3A, %sign3A_12 : i32
    %sign3A_14 = arith.extui %sign3A_13 : i1 to i32
    %sign3A_15 = arith.subi %sign3A_11, %sign3A_14 : i32
    %ne3A = arith.cmpi ne, %sign3A_8, %sign3A_15 : i32
    %rem3A = arith.remsi %mul3A_2, %jit3A : i32
    %ne3A_16 = arith.constant 0 : i32
    %ne3A_17 = arith.cmpi ne, %rem3A, %ne3A_16 : i32
    %and3A = arith.andi %ne3A, %ne3A_17 : i1
    %sub3A = arith.constant 1 : i32
    %sub3A_18 = arith.subi %div3A, %sub3A : i32
    %select_n3A = arith.select %and3A, %sub3A_18, %div3A : i32
    %mul3A_19 = arith.constant 2048 : i32
    %mul3A_20 = arith.muli %select_n3A, %mul3A_19 : i32
    %get3A = arith.constant 0 : index
    %get3A_21 = tpu.vector_load %arg5[%get3A] {strides = array<i32>} : memref<256xi32, #tpu.memory_space<vmem>>, vector<16xi32>,
    %get3A_22 = vector.shape_cast %get3A_21 : vector<16xi32> to vector<16xi32>
    %add3A_23 = vector.broadcast %mul3A_20 : i32 to vector<16xi32>
    %add3A_24 = arith.addi %get3A_22, %add3A_23 : vector<16xi32>
    %swap3A = arith.constant 0 : index
    %swap3A_25 = tpu.vector_load %arg5[%swap3A] {strides = array<i32>} : memref<256xi32, #tpu.memory_space<vmem>>, vector<16xi32>,
    %swap3A_26 = vector.shape_cast %swap3A_25 : vector<16xi32> to vector<16xi32>
    %swap3A_27 = vector.shape_cast %add3A_24 : vector<16xi32> to vector<16xi32>
    tpu.vector_store %arg5[%swap3A], %swap3A_27 {strides = array<i32>} : memref<256xi32, #tpu.memory_space<vmem>>, vector<16xi32>,
    %get3A_28 = arith.constant 16 : index
    %get3A_29 = tpu.vector_load %arg5[%get3A_28] {strides = array<i32>} : memref<256xi32, #tpu.memory_space<vmem>>, vector<16xi32>,
    %get3A_30 = vector.shape_cast %get3A_29 : vector<16xi32> to vector<16xi32>
    %add3A_31 = vector.broadcast %mul3A_20 : i32 to vector<16xi32>
    %add3A_32 = arith.addi %get3A_30, %add3A_31 : vector<16xi32>
    %swap3A_33 = arith.constant 16 : index
    %swap3A_34 = tpu.vector_load %arg5[%swap3A_33] {strides = array<i32>} : memref<256xi32, #tpu.memory_space<vmem>>, vector<16xi32>,
    %swap3A_35 = vector.shape_cast %swap3A_34 : vector<16xi32> to vector<16xi32>
    %swap3A_36 = vector.shape_cast %add3A_32 : vector<16xi32> to vector<16xi32>
    tpu.vector_store %arg5[%swap3A_33], %swap3A_36 {strides = array<i32>} : memref<256xi32, #tpu.memory_space<vmem>>, vector<16xi32>,
    %get3A_37 = arith.constant 32 : index
    %get3A_38 = tpu.vector_load %arg5[%get3A_37] {strides = array<i32>} : memref<256xi32, #tpu.memory_space<vmem>>, vector<16xi32>,
    %get3A_39 = vector.shape_cast %get3A_38 : vector<16xi32> to vector<16xi32>
    %add3A_40 = vector.broadcast %mul3A_20 : i32 to vector<16xi32>
    %add3A_41 = arith.addi %get3A_39, %add3A_40 : vector<16xi32>
    %swap3A_42 = arith.constant 32 : index
    %swap3A_43 = tpu.vector_load %arg5[%swap3A_42] {strides = array<i32>} : memref<256xi32, #tpu.memory_space<vmem>>, vector<16xi32>,
    %swap3A_44 = vector.shape_cast %swap3A_43 : vector<16xi32> to vector<16xi32>
    %swap3A_45 = vector.shape_cast %add3A_41 : vector<16xi32> to vector<16xi32>
    tpu.vector_store %arg5[%swap3A_42], %swap3A_45 {strides = array<i32>} : memref<256xi32, #tpu.memory_space<vmem>>, vector<16xi32>,
    %get3A_46 = arith.constant 48 : index
    %get3A_47 = tpu.vector_load %arg5[%get3A_46] {strides = array<i32>} : memref<256xi32, #tpu.memory_space<vmem>>, vector<16xi32>,
    %get3A_48 = vector.shape_cast %get3A_47 : vector<16xi32> to vector<16xi32>
    %add3A_49 = vector.broadcast %mul3A_20 : i32 to vector<16xi32>
    %add3A_50 = arith.addi %get3A_48, %add3A_49 : vector<16xi32>
    %swap3A_51 = arith.constant 48 : index
    %swap3A_52 = tpu.vector_load %arg5[%swap3A_51] {strides = array<i32>} : memref<256xi32, #tpu.memory_space<vmem>>, vector<16xi32>,
    %swap3A_53 = vector.shape_cast %swap3A_52 : vector<16xi32> to vector<16xi32>
    %swap3A_54 = vector.shape_cast %add3A_50 : vector<16xi32> to vector<16xi32>
    tpu.vector_store %arg5[%swap3A_51], %swap3A_54 {strides = array<i32>} : memref<256xi32, #tpu.memory_space<vmem>>, vector<16xi32>,
    %get3A_55 = arith.constant 64 : index
    %get3A_56 = tpu.vector_load %arg5[%get3A_55] {strides = array<i32>} : memref<256xi32, #tpu.memory_space<vmem>>, vector<16xi32>,
    %get3A_57 = vector.shape_cast %get3A_56 : vector<16xi32> to vector<16xi32>
    %add3A_58 = vector.broadcast %mul3A_20 : i32 to vector<16xi32>
    %add3A_59 = arith.addi %get3A_57, %add3A_58 : vector<16xi32>
    %swap3A_60 = arith.constant 64 : index
    %swap3A_61 = tpu.vector_load %arg5[%swap3A_60] {strides = array<i32>} : memref<256xi32, #tpu.memory_space<vmem>>, vector<16xi32>,
    %swap3A_62 = vector.shape_cast %swap3A_61 : vector<16xi32> to vector<16xi32>
    %swap3A_63 = vector.shape_cast %add3A_59 : vector<16xi32> to vector<16xi32>
    tpu.vector_store %arg5[%swap3A_60], %swap3A_63 {strides = array<i32>} : memref<256xi32, #tpu.memory_space<vmem>>, vector<16xi32>,
    %get3A_64 = arith.constant 80 : index
    %get3A_65 = tpu.vector_load %arg5[%get3A_64] {strides = array<i32>} : memref<256xi32, #tpu.memory_space<vmem>>, vector<16xi32>,
    %get3A_66 = vector.shape_cast %get3A_65 : vector<16xi32> to vector<16xi32>
    %add3A_67 = vector.broadcast %mul3A_20 : i32 to vector<16xi32>
    %add3A_68 = arith.addi %get3A_66, %add3A_67 : vector<16xi32>
    %swap3A_69 = arith.constant 80 : index
    %swap3A_70 = tpu.vector_load %arg5[%swap3A_69] {strides = array<i32>} : memref<256xi32, #tpu.memory_space<vmem>>, vector<16xi32>,
    %swap3A_71 = vector.shape_cast %swap3A_70 : vector<16xi32> to vector<16xi32>
    %swap3A_72 = vector.shape_cast %add3A_68 : vector<16xi32> to vector<16xi32>
    tpu.vector_store %arg5[%swap3A_69], %swap3A_72 {strides = array<i32>} : memref<256xi32, #tpu.memory_space<vmem>>, vector<16xi32>,
    %get3A_73 = arith.constant 96 : index
    %get3A_74 = tpu.vector_load %arg5[%get3A_73] {strides = array<i32>} : memref<256xi32, #tpu.memory_space<vmem>>, vector<16xi32>,
    %get3A_75 = vector.shape_cast %get3A_74 : vector<16xi32> to vector<16xi32>
    %add3A_76 = vector.broadcast %mul3A_20 : i32 to vector<16xi32>
    %add3A_77 = arith.addi %get3A_75, %add3A_76 : vector<16xi32>
    %swap3A_78 = arith.constant 96 : index
    %swap3A_79 = tpu.vector_load %arg5[%swap3A_78] {strides = array<i32>} : memref<256xi32, #tpu.memory_space<vmem>>, vector<16xi32>,
    %swap3A_80 = vector.shape_cast %swap3A_79 : vector<16xi32> to vector<16xi32>
    %swap3A_81 = vector.shape_cast %add3A_77 : vector<16xi32> to vector<16xi32>
    tpu.vector_store %arg5[%swap3A_78], %swap3A_81 {strides = array<i32>} : memref<256xi32, #tpu.memory_space<vmem>>, vector<16xi32>,
    %get3A_82 = arith.constant 112 : index
    %get3A_83 = tpu.vector_load %arg5[%get3A_82] {strides = array<i32>} : memref<256xi32, #tpu.memory_space<vmem>>, vector<16xi32>,
    %get3A_84 = vector.shape_cast %get3A_83 : vector<16xi32> to vector<16xi32>
    %add3A_85 = vector.broadcast %mul3A_20 : i32 to vector<16xi32>
    %add3A_86 = arith.addi %get3A_84, %add3A_85 : vector<16xi32>
    %swap3A_87 = arith.constant 112 : index
    %swap3A_88 = tpu.vector_load %arg5[%swap3A_87] {strides = array<i32>} : memref<256xi32, #tpu.memory_space<vmem>>, vector<16xi32>,
    %swap3A_89 = vector.shape_cast %swap3A_88 : vector<16xi32> to vector<16xi32>
    %swap3A_90 = vector.shape_cast %add3A_86 : vector<16xi32> to vector<16xi32>
    tpu.vector_store %arg5[%swap3A_87], %swap3A_90 {strides = array<i32>} : memref<256xi32, #tpu.memory_space<vmem>>, vector<16xi32>,
    %get3A_91 = arith.constant 128 : index
    %get3A_92 = tpu.vector_load %arg5[%get3A_91] {strides = array<i32>} : memref<256xi32, #tpu.memory_space<vmem>>, vector<16xi32>,
    %get3A_93 = vector.shape_cast %get3A_92 : vector<16xi32> to vector<16xi32>
    %add3A_94 = vector.broadcast %mul3A_20 : i32 to vector<16xi32>
    %add3A_95 = arith.addi %get3A_93, %add3A_94 : vector<16xi32>
    %swap3A_96 = arith.constant 128 : index
    %swap3A_97 = tpu.vector_load %arg5[%swap3A_96] {strides = array<i32>} : memref<256xi32, #tpu.memory_space<vmem>>, vector<16xi32>,
    %swap3A_98 = vector.shape_cast %swap3A_97 : vector<16xi32> to vector<16xi32>
    %swap3A_99 = vector.shape_cast %add3A_95 : vector<16xi32> to vector<16xi32>
    tpu.vector_store %arg5[%swap3A_96], %swap3A_99 {strides = array<i32>} : memref<256xi32, #tpu.memory_space<vmem>>, vector<16xi32>,
    %get3A_100 = arith.constant 144 : index
    %get3A_101 = tpu.vector_load %arg5[%get3A_100] {strides = array<i32>} : memref<256xi32, #tpu.memory_space<vmem>>, vector<16xi32>,
    %get3A_102 = vector.shape_cast %get3A_101 : vector<16xi32> to vector<16xi32>
    %add3A_103 = vector.broadcast %mul3A_20 : i32 to vector<16xi32>
    %add3A_104 = arith.addi %get3A_102, %add3A_103 : vector<16xi32>
    %swap3A_105 = arith.constant 144 : index
    %swap3A_106 = tpu.vector_load %arg5[%swap3A_105] {strides = array<i32>} : memref<256xi32, #tpu.memory_space<vmem>>, vector<16xi32>,
    %swap3A_107 = vector.shape_cast %swap3A_106 : vector<16xi32> to vector<16xi32>
    %swap3A_108 = vector.shape_cast %add3A_104 : vector<16xi32> to vector<16xi32>
    tpu.vector_store %arg5[%swap3A_105], %swap3A_108 {strides = array<i32>} : memref<256xi32, #tpu.memory_space<vmem>>, vector<16xi32>,
    %get3A_109 = arith.constant 160 : index
    %get3A_110 = tpu.vector_load %arg5[%get3A_109] {strides = array<i32>} : memref<256xi32, #tpu.memory_space<vmem>>, vector<16xi32>,
    %get3A_111 = vector.shape_cast %get3A_110 : vector<16xi32> to vector<16xi32>
    %add3A_112 = vector.broadcast %mul3A_20 : i32 to vector<16xi32>
    %add3A_113 = arith.addi %get3A_111, %add3A_112 : vector<16xi32>
    %swap3A_114 = arith.constant 160 : index
    %swap3A_115 = tpu.vector_load %arg5[%swap3A_114] {strides = array<i32>} : memref<256xi32, #tpu.memory_space<vmem>>, vector<16xi32>,
    %swap3A_116 = vector.shape_cast %swap3A_115 : vector<16xi32> to vector<16xi32>
    %swap3A_117 = vector.shape_cast %add3A_113 : vector<16xi32> to vector<16xi32>
    tpu.vector_store %arg5[%swap3A_114], %swap3A_117 {strides = array<i32>} : memref<256xi32, #tpu.memory_space<vmem>>, vector<16xi32>,
    %get3A_118 = arith.constant 176 : index
    %get3A_119 = tpu.vector_load %arg5[%get3A_118] {strides = array<i32>} : memref<256xi32, #tpu.memory_space<vmem>>, vector<16xi32>,
    %get3A_120 = vector.shape_cast %get3A_119 : vector<16xi32> to vector<16xi32>
    %add3A_121 = vector.broadcast %mul3A_20 : i32 to vector<16xi32>
    %add3A_122 = arith.addi %get3A_120, %add3A_121 : vector<16xi32>
    %swap3A_123 = arith.constant 176 : index
    %swap3A_124 = tpu.vector_load %arg5[%swap3A_123] {strides = array<i32>} : memref<256xi32, #tpu.memory_space<vmem>>, vector<16xi32>,
    %swap3A_125 = vector.shape_cast %swap3A_124 : vector<16xi32> to vector<16xi32>
    %swap3A_126 = vector.shape_cast %add3A_122 : vector<16xi32> to vector<16xi32>
    tpu.vector_store %arg5[%swap3A_123], %swap3A_126 {strides = array<i32>} : memref<256xi32, #tpu.memory_space<vmem>>, vector<16xi32>,
    %get3A_127 = arith.constant 192 : index
    %get3A_128 = tpu.vector_load %arg5[%get3A_127] {strides = array<i32>} : memref<256xi32, #tpu.memory_space<vmem>>, vector<16xi32>,
    %get3A_129 = vector.shape_cast %get3A_128 : vector<16xi32> to vector<16xi32>
    %add3A_130 = vector.broadcast %mul3A_20 : i32 to vector<16xi32>
    %add3A_131 = arith.addi %get3A_129, %add3A_130 : vector<16xi32>
    %swap3A_132 = arith.constant 192 : index
    %swap3A_133 = tpu.vector_load %arg5[%swap3A_132] {strides = array<i32>} : memref<256xi32, #tpu.memory_space<vmem>>, vector<16xi32>,
    %swap3A_134 = vector.shape_cast %swap3A_133 : vector<16xi32> to vector<16xi32>
    %swap3A_135 = vector.shape_cast %add3A_131 : vector<16xi32> to vector<16xi32>
    tpu.vector_store %arg5[%swap3A_132], %swap3A_135 {strides = array<i32>} : memref<256xi32, #tpu.memory_space<vmem>>, vector<16xi32>,
    %get3A_136 = arith.constant 208 : index
    %get3A_137 = tpu.vector_load %arg5[%get3A_136] {strides = array<i32>} : memref<256xi32, #tpu.memory_space<vmem>>, vector<16xi32>,
    %get3A_138 = vector.shape_cast %get3A_137 : vector<16xi32> to vector<16xi32>
    %add3A_139 = vector.broadcast %mul3A_20 : i32 to vector<16xi32>
    %add3A_140 = arith.addi %get3A_138, %add3A_139 : vector<16xi32>
    %swap3A_141 = arith.constant 208 : index
    %swap3A_142 = tpu.vector_load %arg5[%swap3A_141] {strides = array<i32>} : memref<256xi32, #tpu.memory_space<vmem>>, vector<16xi32>,
    %swap3A_143 = vector.shape_cast %swap3A_142 : vector<16xi32> to vector<16xi32>
    %swap3A_144 = vector.shape_cast %add3A_140 : vector<16xi32> to vector<16xi32>
    tpu.vector_store %arg5[%swap3A_141], %swap3A_144 {strides = array<i32>} : memref<256xi32, #tpu.memory_space<vmem>>, vector<16xi32>,
    %get3A_145 = arith.constant 224 : index
    %get3A_146 = tpu.vector_load %arg5[%get3A_145] {strides = array<i32>} : memref<256xi32, #tpu.memory_space<vmem>>, vector<16xi32>,
    %get3A_147 = vector.shape_cast %get3A_146 : vector<16xi32> to vector<16xi32>
    %add3A_148 = vector.broadcast %mul3A_20 : i32 to vector<16xi32>
    %add3A_149 = arith.addi %get3A_147, %add3A_148 : vector<16xi32>
    %swap3A_150 = arith.constant 224 : index
    %swap3A_151 = tpu.vector_load %arg5[%swap3A_150] {strides = array<i32>} : memref<256xi32, #tpu.memory_space<vmem>>, vector<16xi32>,
    %swap3A_152 = vector.shape_cast %swap3A_151 : vector<16xi32> to vector<16xi32>
    %swap3A_153 = vector.shape_cast %add3A_149 : vector<16xi32> to vector<16xi32>
    tpu.vector_store %arg5[%swap3A_150], %swap3A_153 {strides = array<i32>} : memref<256xi32, #tpu.memory_space<vmem>>, vector<16xi32>,
    %get3A_154 = arith.constant 240 : index
    %get3A_155 = tpu.vector_load %arg5[%get3A_154] {strides = array<i32>} : memref<256xi32, #tpu.memory_space<vmem>>, vector<16xi32>,
    %get3A_156 = vector.shape_cast %get3A_155 : vector<16xi32> to vector<16xi32>
    %add3A_157 = vector.broadcast %mul3A_20 : i32 to vector<16xi32>
    %add3A_158 = arith.addi %get3A_156, %add3A_157 : vector<16xi32>
    %swap3A_159 = arith.constant 240 : index
    %swap3A_160 = tpu.vector_load %arg5[%swap3A_159] {strides = array<i32>} : memref<256xi32, #tpu.memory_space<vmem>>, vector<16xi32>,
    %swap3A_161 = vector.shape_cast %swap3A_160 : vector<16xi32> to vector<16xi32>
    %swap3A_162 = vector.shape_cast %add3A_158 : vector<16xi32> to vector<16xi32>
    tpu.vector_store %arg5[%swap3A_159], %swap3A_162 {strides = array<i32>} : memref<256xi32, #tpu.memory_space<vmem>>, vector<16xi32>,
    %dma_start3A = arith.constant 0 : i32
    %dma_start3A_163 = arith.constant 0 : i32
    %dma_start3A_164 = tpu.memref_slice %arg2[%dma_start3A, %dma_start3A_163] : memref<8192x128xf32, #tpu.memory_space<hbm>> -> memref<8192x128xf32, #tpu.memory_space<hbm>>
    tpu.enqueue_indirect_dma source(%dma_start3A_164 : memref<8192x128xf32, #tpu.memory_space<hbm>>) target(%arg6 : memref<256x128xf32, #tpu.memory_space<vmem>>) offsets(%arg5 : memref<256xi32, #tpu.memory_space<vmem>>) semaphore(%arg7 : memref<!tpu.dma_semaphore, #tpu.memory_space<semaphore_mem>>)
    %dma_wait3A = arith.constant 0 : i32
    %dma_wait3A_165 = arith.constant 0 : i32
    %dma_wait3A_166 = tpu.memref_slice %arg2[%dma_wait3A, %dma_wait3A_165] : memref<8192x128xf32, #tpu.memory_space<hbm>> -> memref<8192x128xf32, #tpu.memory_space<hbm>>
    tpu.wait_indirect_dma semaphore(%arg7 : memref<!tpu.dma_semaphore, #tpu.memory_space<semaphore_mem>>) src(%dma_wait3A_166 : memref<8192x128xf32, #tpu.memory_space<hbm>>) dst(%arg6 : memref<256x128xf32, #tpu.memory_space<vmem>>)
    "tpu.region"() ({
      %run_scoped3A = tpu.sem_alloc : memref<!tpu.dma_semaphore, #tpu.memory_space<semaphore_mem>>
      %dma_start3A_167 = arith.constant 0 : i32
      %dma_start3A_168 = tpu.memref_slice %arg4[%mul3A_2, %dma_start3A_167] : memref<8192x128xf32, #tpu.memory_space<hbm>> -> memref<256x128xf32, #tpu.memory_space<hbm>>
      %dma_start3A_169 = arith.constant 0 : i32
      %dma_start3A_170 = tpu.memref_slice %arg4[%mul3A_2, %dma_start3A_169] : memref<8192x128xf32, #tpu.memory_space<hbm>> -> memref<256x128xf32, #tpu.memory_space<hbm>>
      tpu.enqueue_dma source(%arg6 : memref<256x128xf32, #tpu.memory_space<vmem>>) target(%dma_start3A_170 : memref<256x128xf32, #tpu.memory_space<hbm>>) target_semaphore(%run_scoped3A : memref<!tpu.dma_semaphore, #tpu.memory_space<semaphore_mem>>)
      %dma_wait3A_171 = arith.constant 0 : i32
      %dma_wait3A_172 = tpu.memref_slice %arg4[%mul3A_2, %dma_wait3A_171] : memref<8192x128xf32, #tpu.memory_space<hbm>> -> memref<256x128xf32, #tpu.memory_space<hbm>>
      %dma_wait3A_173 = arith.constant 0 : i32
      %dma_wait3A_174 = tpu.memref_slice %arg4[%mul3A_2, %dma_wait3A_173] : memref<8192x128xf32, #tpu.memory_space<hbm>> -> memref<256x128xf32, #tpu.memory_space<hbm>>
      tpu.wait_dma2 semaphore(%run_scoped3A : memref<!tpu.dma_semaphore, #tpu.memory_space<semaphore_mem>>) src(%arg6 : memref<256x128xf32, #tpu.memory_space<vmem>>) dst(%dma_wait3A_174 : memref<256x128xf32, #tpu.memory_space<hbm>>)
      tpu.yield
    }) : () -> ()
    return
  }
}

module attributes {stable_mosaic.version = 14 : i64} {
  func.func @_topk_body(%arg0: i32, %arg1: i32, %arg2: memref<1x8x2048xf32, #tpu.memory_space<vmem>>, %arg3: memref<1x1x256x8xf32, #tpu.memory_space<vmem>>, %arg4: memref<1x256x32xi32, #tpu.memory_space<vmem>>, %arg5: memref<1x256x32xf32, #tpu.memory_space<vmem>>) attributes {dimension_semantics = [#tpu.dimension_semantics<arbitrary>, #tpu.dimension_semantics<arbitrary>], iteration_bounds = array<i64: 4, 8>, scalar_prefetch = 0 : i64, scratch_operands = 0 : i64, tpu.core_type = #tpu.core_type<tc>, window_params = [{transform_indices = @transform_0, window_bounds = array<i64: 1, 8, 2048>}, {transform_indices = @transform_1, window_bounds = array<i64: 1, 1, 256, 8>}, {transform_indices = @transform_2, window_bounds = array<i64: 1, 256, 32>}, {transform_indices = @transform_3, window_bounds = array<i64: 1, 256, 32>}]} {
    %get3A = arith.constant 0 : index
    %get3A_0 = arith.constant 0 : index
    %get3A_1 = arith.constant 0 : index
    %get3A_2 = vector.load %arg2[%get3A, %get3A_0, %get3A_1] : memref<1x8x2048xf32, #tpu.memory_space<vmem>>, vector<1x1x2048xf32>
    %get3A_3 = vector.shape_cast %get3A_2 : vector<1x1x2048xf32> to vector<1x2048xf32>
    %get3A_4 = arith.constant 0 : index
    %get3A_5 = arith.constant 1 : index
    %get3A_6 = arith.constant 0 : index
    %get3A_7 = vector.load %arg2[%get3A_4, %get3A_5, %get3A_6] : memref<1x8x2048xf32, #tpu.memory_space<vmem>>, vector<1x1x2048xf32>
    %get3A_8 = vector.shape_cast %get3A_7 : vector<1x1x2048xf32> to vector<1x2048xf32>
    %get3A_9 = arith.constant 0 : index
    %get3A_10 = arith.constant 2 : index
    %get3A_11 = arith.constant 0 : index
    %get3A_12 = vector.load %arg2[%get3A_9, %get3A_10, %get3A_11] : memref<1x8x2048xf32, #tpu.memory_space<vmem>>, vector<1x1x2048xf32>
    %get3A_13 = vector.shape_cast %get3A_12 : vector<1x1x2048xf32> to vector<1x2048xf32>
    %get3A_14 = arith.constant 0 : index
    %get3A_15 = arith.constant 0 : index
    %get3A_16 = arith.constant 0 : index
    %get3A_17 = arith.constant 0 : index
    %get3A_18 = vector.load %arg3[%get3A_14, %get3A_15, %get3A_16, %get3A_17] : memref<1x1x256x8xf32, #tpu.memory_space<vmem>>, vector<1x1x256x1xf32>
    %get3A_19 = vector.shape_cast %get3A_18 : vector<1x1x256x1xf32> to vector<256x1xf32>
    %get3A_20 = arith.constant 0 : index
    %get3A_21 = arith.constant 0 : index
    %get3A_22 = arith.constant 0 : index
    %get3A_23 = arith.constant 1 : index
    %get3A_24 = vector.load %arg3[%get3A_20, %get3A_21, %get3A_22, %get3A_23] : memref<1x1x256x8xf32, #tpu.memory_space<vmem>>, vector<1x1x256x1xf32>
    %get3A_25 = vector.shape_cast %get3A_24 : vector<1x1x256x1xf32> to vector<256x1xf32>
    %get3A_26 = arith.constant 0 : index
    %get3A_27 = arith.constant 0 : index
    %get3A_28 = arith.constant 0 : index
    %get3A_29 = arith.constant 2 : index
    %get3A_30 = vector.load %arg3[%get3A_26, %get3A_27, %get3A_28, %get3A_29] : memref<1x1x256x8xf32, #tpu.memory_space<vmem>>, vector<1x1x256x1xf32>
    %get3A_31 = vector.shape_cast %get3A_30 : vector<1x1x256x1xf32> to vector<256x1xf32>
    %sub3A = vector.broadcast %get3A_19 : vector<256x1xf32> to vector<256x2048xf32>
    %sub3A_32 = vector.broadcast %get3A_3 : vector<1x2048xf32> to vector<256x2048xf32>
    %sub3A_33 = arith.subf %sub3A, %sub3A_32 : vector<256x2048xf32>
    %sub3A_34 = vector.broadcast %get3A_25 : vector<256x1xf32> to vector<256x2048xf32>
    %sub3A_35 = vector.broadcast %get3A_8 : vector<1x2048xf32> to vector<256x2048xf32>
    %sub3A_36 = arith.subf %sub3A_34, %sub3A_35 : vector<256x2048xf32>
    %sub3A_37 = vector.broadcast %get3A_31 : vector<256x1xf32> to vector<256x2048xf32>
    %sub3A_38 = vector.broadcast %get3A_13 : vector<1x2048xf32> to vector<256x2048xf32>
    %sub3A_39 = arith.subf %sub3A_37, %sub3A_38 : vector<256x2048xf32>
    %mul3A = arith.mulf %sub3A_33, %sub3A_33 : vector<256x2048xf32>
    %mul3A_40 = arith.mulf %sub3A_36, %sub3A_36 : vector<256x2048xf32>
    %add3A = arith.addf %mul3A, %mul3A_40 : vector<256x2048xf32>
    %mul3A_41 = arith.mulf %sub3A_39, %sub3A_39 : vector<256x2048xf32>
    %add3A_42 = arith.addf %add3A, %mul3A_41 : vector<256x2048xf32>
    %iota3A = tpu.iota {dimensions = array<i32: 1>} : vector<1x2048xi32>
    %iota3A_43 = tpu.iota {dimensions = array<i32: 1>} : vector<1x32xi32>
    %reduce_min3A = arith.constant dense<0x7F800000> : vector<256xf32>
    %reduce_min3A_44 = vector.multi_reduction <minimumf>, %add3A_42, %reduce_min3A [1] : vector<256x2048xf32> to vector<256xf32>
    %broadcast_in_dim3A = vector.shape_cast %reduce_min3A_44 : vector<256xf32> to vector<256x1xf32>
    %broadcast_in_dim3A_45 = arith.constant 0 : i32
    %broadcast_in_dim3A_46 = vector.broadcast %broadcast_in_dim3A_45 : i32 to vector<256x32xi32>
    %broadcast_in_dim3A_47 = arith.constant 0.000000e+00 : f32
    %broadcast_in_dim3A_48 = vector.broadcast %broadcast_in_dim3A_47 : f32 to vector<256x32xf32>
    %scan3A = arith.constant 0 : i32
    %scan3A_49 = arith.constant 32 : i32
    %scan3A_50 = arith.addi %scan3A, %scan3A_49 : i32
    %scan3A_51 = arith.constant 1 : i32
    %scan3A_52:4 = scf.for %scan3A_68 = %scan3A to %scan3A_50 step %scan3A_51 iter_args(%scan3A_69 = %add3A_42, %scan3A_70 = %broadcast_in_dim3A, %scan3A_71 = %broadcast_in_dim3A_46, %scan3A_72 = %broadcast_in_dim3A_48) -> (vector<256x2048xf32>, vector<256x1xf32>, vector<256x32xi32>, vector<256x32xf32>)  : i32 {
      %eq3A = vector.broadcast %scan3A_70 : vector<256x1xf32> to vector<256x2048xf32>
      %eq3A_73 = arith.cmpf oeq, %scan3A_69, %eq3A : vector<256x2048xf32>
      %jit3A = arith.constant 2048 : i32
      %broadcast_in_dim3A_74 = vector.shape_cast %iota3A : vector<1x2048xi32> to vector<1x2048xi32>
      %broadcast_in_dim3A_75 = vector.broadcast %broadcast_in_dim3A_74 : vector<1x2048xi32> to vector<256x2048xi32>
      %broadcast_in_dim3A_76 = vector.broadcast %jit3A : i32 to vector<256x2048xi32>
      %select_n3A = arith.select %eq3A_73, %broadcast_in_dim3A_75, %broadcast_in_dim3A_76 : vector<256x2048xi1>, vector<256x2048xi32>
      %reduce_min3A_77 = arith.constant dense<2147483647> : vector<256xi32>
      %reduce_min3A_78 = vector.multi_reduction <minsi>, %select_n3A, %reduce_min3A_77 [1] : vector<256x2048xi32> to vector<256xi32>
      %broadcast_in_dim3A_79 = vector.shape_cast %reduce_min3A_78 : vector<256xi32> to vector<256x1xi32>
      %eq3A_80 = vector.broadcast %scan3A_68 : i32 to vector<1x32xi32>
      %eq3A_81 = arith.cmpi eq, %iota3A_43, %eq3A_80 : vector<1x32xi32>
      %broadcast_in_dim3A_82 = vector.shape_cast %eq3A_81 : vector<1x32xi1> to vector<1x32xi1>
      %broadcast_in_dim3A_83 = vector.broadcast %broadcast_in_dim3A_82 : vector<1x32xi1> to vector<256x32xi1>
      %broadcast_in_dim3A_84 = vector.shape_cast %broadcast_in_dim3A_79 : vector<256x1xi32> to vector<256x1xi32>
      %broadcast_in_dim3A_85 = vector.broadcast %broadcast_in_dim3A_84 : vector<256x1xi32> to vector<256x32xi32>
      %select_n3A_86 = arith.select %broadcast_in_dim3A_83, %broadcast_in_dim3A_85, %scan3A_71 : vector<256x32xi1>, vector<256x32xi32>
      %broadcast_in_dim3A_87 = vector.shape_cast %eq3A_81 : vector<1x32xi1> to vector<1x32xi1>
      %broadcast_in_dim3A_88 = vector.broadcast %broadcast_in_dim3A_87 : vector<1x32xi1> to vector<256x32xi1>
      %broadcast_in_dim3A_89 = vector.shape_cast %scan3A_70 : vector<256x1xf32> to vector<256x1xf32>
      %broadcast_in_dim3A_90 = vector.broadcast %broadcast_in_dim3A_89 : vector<256x1xf32> to vector<256x32xf32>
      %select_n3A_91 = arith.select %broadcast_in_dim3A_88, %broadcast_in_dim3A_90, %scan3A_72 : vector<256x32xi1>, vector<256x32xf32>
      %eq3A_92 = vector.broadcast %iota3A : vector<1x2048xi32> to vector<256x2048xi32>
      %eq3A_93 = vector.broadcast %broadcast_in_dim3A_79 : vector<256x1xi32> to vector<256x2048xi32>
      %eq3A_94 = arith.cmpi eq, %eq3A_92, %eq3A_93 : vector<256x2048xi32>
      %jit3A_95 = arith.constant 0x7F800000 : f32
      %broadcast_in_dim3A_96 = vector.broadcast %jit3A_95 : f32 to vector<256x2048xf32>
      %select_n3A_97 = arith.select %eq3A_94, %broadcast_in_dim3A_96, %scan3A_69 : vector<256x2048xi1>, vector<256x2048xf32>
      %reduce_min3A_98 = arith.constant dense<0x7F800000> : vector<256xf32>
      %reduce_min3A_99 = vector.multi_reduction <minimumf>, %select_n3A_97, %reduce_min3A_98 [1] : vector<256x2048xf32> to vector<256xf32>
      %broadcast_in_dim3A_100 = vector.shape_cast %reduce_min3A_99 : vector<256xf32> to vector<256x1xf32>
      scf.yield %select_n3A_97, %broadcast_in_dim3A_100, %select_n3A_86, %select_n3A_91 : vector<256x2048xf32>, vector<256x1xf32>, vector<256x32xi32>, vector<256x32xf32>
    }
    %scan3A_53 = arith.constant 32 : i32
    %swap3A = arith.constant 0 : index
    %swap3A_54 = arith.constant 0 : index
    %swap3A_55 = arith.constant 0 : index
    %swap3A_56 = vector.load %arg4[%swap3A, %swap3A_54, %swap3A_55] : memref<1x256x32xi32, #tpu.memory_space<vmem>>, vector<1x256x32xi32>
    %swap3A_57 = vector.shape_cast %swap3A_56 : vector<1x256x32xi32> to vector<256x32xi32>
    %swap3A_58 = vector.shape_cast %scan3A_52#2 : vector<256x32xi32> to vector<1x256x32xi32>
    tpu.vector_store %arg4[%swap3A, %swap3A_54, %swap3A_55], %swap3A_58 {strides = array<i32>} : memref<1x256x32xi32, #tpu.memory_space<vmem>>, vector<1x256x32xi32>,
    %add3A_59 = arith.constant 9.99999997E-7 : f32
    %add3A_60 = vector.broadcast %add3A_59 : f32 to vector<256x32xf32>
    %add3A_61 = arith.addf %scan3A_52#3, %add3A_60 : vector<256x32xf32>
    %sqrt3A = math.sqrt %add3A_61 : vector<256x32xf32>
    %swap3A_62 = arith.constant 0 : index
    %swap3A_63 = arith.constant 0 : index
    %swap3A_64 = arith.constant 0 : index
    %swap3A_65 = vector.load %arg5[%swap3A_62, %swap3A_63, %swap3A_64] : memref<1x256x32xf32, #tpu.memory_space<vmem>>, vector<1x256x32xf32>
    %swap3A_66 = vector.shape_cast %swap3A_65 : vector<1x256x32xf32> to vector<256x32xf32>
    %swap3A_67 = vector.shape_cast %sqrt3A : vector<256x32xf32> to vector<1x256x32xf32>
    tpu.vector_store %arg5[%swap3A_62, %swap3A_63, %swap3A_64], %swap3A_67 {strides = array<i32>} : memref<1x256x32xf32, #tpu.memory_space<vmem>>, vector<1x256x32xf32>,
    return
  }
  func.func @transform_0(%arg0: i32, %arg1: i32) -> (i32, i32, i32) {
    %c0_i32 = arith.constant 0 : i32
    %c0_i32_0 = arith.constant 0 : i32
    %c0_i32_1 = arith.constant 0 : i32
    return %arg0, %c0_i32, %c0_i32_0 : i32, i32, i32
  }
  func.func @transform_1(%arg0: i32, %arg1: i32) -> (i32, i32, i32, i32) {
    %c0_i32 = arith.constant 0 : i32
    %c0_i32_0 = arith.constant 0 : i32
    %c0_i32_1 = arith.constant 0 : i32
    return %arg0, %arg1, %c0_i32, %c0_i32_0 : i32, i32, i32, i32
  }
  func.func @transform_2(%arg0: i32, %arg1: i32) -> (i32, i32, i32) {
    %c0_i32 = arith.constant 0 : i32
    %c0_i32_0 = arith.constant 0 : i32
    return %arg0, %arg1, %c0_i32 : i32, i32, i32
  }
  func.func @transform_3(%arg0: i32, %arg1: i32) -> (i32, i32, i32) {
    %c0_i32 = arith.constant 0 : i32
    %c0_i32_0 = arith.constant 0 : i32
    return %arg0, %arg1, %c0_i32 : i32, i32, i32
  }
}

module attributes {stable_mosaic.version = 14 : i64} {
  func.func @_edges_body(%arg0: i32, %arg1: memref<1x2048x8xf32, #tpu.memory_space<vmem>>, %arg2: memref<66x128xf32, #tpu.memory_space<vmem>>, %arg3: memref<16x128xf32, #tpu.memory_space<vmem>>, %arg4: memref<1x128xf32, #tpu.memory_space<vmem>>, %arg5: memref<1x128xf32, #tpu.memory_space<vmem>>, %arg6: memref<1x128xf32, #tpu.memory_space<vmem>>, %arg7: memref<1x128xf32, #tpu.memory_space<vmem>>, %arg8: memref<2048x128xf32, #tpu.memory_space<vmem>>) attributes {dimension_semantics = [#tpu.dimension_semantics<arbitrary>], iteration_bounds = array<i64: 128>, scalar_prefetch = 0 : i64, scratch_operands = 0 : i64, tpu.core_type = #tpu.core_type<tc>, window_params = [{transform_indices = @transform_0, window_bounds = array<i64: 1, 2048, 8>}, {pipeline_mode = #tpu.pipeline_mode<synchronous>, transform_indices = @transform_1, window_bounds = array<i64: 66, 128>}, {pipeline_mode = #tpu.pipeline_mode<synchronous>, transform_indices = @transform_2, window_bounds = array<i64: 16, 128>}, {pipeline_mode = #tpu.pipeline_mode<synchronous>, transform_indices = @transform_3, window_bounds = array<i64: 1, 128>}, {pipeline_mode = #tpu.pipeline_mode<synchronous>, transform_indices = @transform_4, window_bounds = array<i64: 1, 128>}, {pipeline_mode = #tpu.pipeline_mode<synchronous>, transform_indices = @transform_5, window_bounds = array<i64: 1, 128>}, {pipeline_mode = #tpu.pipeline_mode<synchronous>, transform_indices = @transform_6, window_bounds = array<i64: 1, 128>}, {transform_indices = @transform_7, window_bounds = array<i64: 2048, 128>}]} {
    %get3A = arith.constant 0 : index
    %get3A_0 = arith.constant 0 : index
    %get3A_1 = arith.constant 0 : index
    %get3A_2 = vector.load %arg1[%get3A, %get3A_0, %get3A_1] : memref<1x2048x8xf32, #tpu.memory_space<vmem>>, vector<1x2048x1xf32>
    %get3A_3 = vector.shape_cast %get3A_2 : vector<1x2048x1xf32> to vector<2048x1xf32>
    %get3A_4 = arith.constant 0 : index
    %get3A_5 = arith.constant 0 : index
    %get3A_6 = arith.constant 1 : index
    %get3A_7 = vector.load %arg1[%get3A_4, %get3A_5, %get3A_6] : memref<1x2048x8xf32, #tpu.memory_space<vmem>>, vector<1x2048x1xf32>
    %get3A_8 = vector.shape_cast %get3A_7 : vector<1x2048x1xf32> to vector<2048x1xf32>
    %get3A_9 = arith.constant 0 : index
    %get3A_10 = arith.constant 0 : index
    %get3A_11 = arith.constant 2 : index
    %get3A_12 = vector.load %arg1[%get3A_9, %get3A_10, %get3A_11] : memref<1x2048x8xf32, #tpu.memory_space<vmem>>, vector<1x2048x1xf32>
    %get3A_13 = vector.shape_cast %get3A_12 : vector<1x2048x1xf32> to vector<2048x1xf32>
    %iota3A = tpu.iota {dimensions = array<i32: 1>} : vector<1x66xi32>
    %convert_element_type3A = arith.sitofp %iota3A : vector<1x66xi32> to vector<1x66xf32>
    %eq3A = vector.broadcast %get3A_3 : vector<2048x1xf32> to vector<2048x66xf32>
    %eq3A_14 = vector.broadcast %convert_element_type3A : vector<1x66xf32> to vector<2048x66xf32>
    %eq3A_15 = arith.cmpf oeq, %eq3A, %eq3A_14 : vector<2048x66xf32>
    %convert_element_type3A_16 = arith.extui %eq3A_15 : vector<2048x66xi1> to vector<2048x66xi32>
    %convert_element_type3A_17 = arith.sitofp %convert_element_type3A_16 : vector<2048x66xi32> to vector<2048x66xf32>
    %iota3A_18 = tpu.iota {dimensions = array<i32: 1>} : vector<1x16xi32>
    %convert_element_type3A_19 = arith.sitofp %iota3A_18 : vector<1x16xi32> to vector<1x16xf32>
    %mul3A = arith.constant 1.33333337 : f32
    %mul3A_20 = vector.broadcast %mul3A : f32 to vector<1x16xf32>
    %mul3A_21 = arith.mulf %mul3A_20, %convert_element_type3A_19 : vector<1x16xf32>
    %add3A = arith.constant 2.000000e+00 : f32
    %add3A_22 = vector.broadcast %add3A : f32 to vector<1x16xf32>
    %add3A_23 = arith.addf %add3A_22, %mul3A_21 : vector<1x16xf32>
    %sub3A = vector.broadcast %get3A_8 : vector<2048x1xf32> to vector<2048x16xf32>
    %sub3A_24 = vector.broadcast %add3A_23 : vector<1x16xf32> to vector<2048x16xf32>
    %sub3A_25 = arith.subf %sub3A, %sub3A_24 : vector<2048x16xf32>
    %div3A = arith.constant 1.250000e+00 : f32
    %div3A_26 = vector.broadcast %div3A : f32 to vector<2048x16xf32>
    %div3A_27 = arith.divf %sub3A_25, %div3A_26 : vector<2048x16xf32>
    %mul3A_28 = arith.mulf %div3A_27, %div3A_27 : vector<2048x16xf32>
    %neg3A = arith.constant 0.000000e+00 : f32
    %neg3A_29 = vector.broadcast %neg3A : f32 to vector<2048x16xf32>
    %neg3A_30 = arith.subf %neg3A_29, %mul3A_28 : vector<2048x16xf32>
    %exp3A = math.exp %neg3A_30 : vector<2048x16xf32>
    %get3A_31 = arith.constant 0 : index
    %get3A_32 = arith.constant 0 : index
    %get3A_33 = vector.load %arg2[%get3A_31, %get3A_32] : memref<66x128xf32, #tpu.memory_space<vmem>>, vector<66x128xf32>
    %dot_general3A = arith.constant dense<0.000000e+00> : vector<2048x128xf32>
    %dot_general3A_34 = tpu.matmul %convert_element_type3A_17, %get3A_33, %dot_general3A {dimension_numbers = #tpu.dot_dimension_numbers<[1], [0], [0], [1], [0, 0, 1, 1], [], []>, transpose_lhs_hint = false} : vector<2048x66xf32>, vector<66x128xf32>, vector<2048x128xf32> -> vector<2048x128xf32>
    %get3A_35 = arith.constant 0 : index
    %get3A_36 = arith.constant 0 : index
    %get3A_37 = vector.load %arg3[%get3A_35, %get3A_36] : memref<16x128xf32, #tpu.memory_space<vmem>>, vector<16x128xf32>
    %dot_general3A_38 = arith.constant dense<0.000000e+00> : vector<2048x128xf32>
    %dot_general3A_39 = tpu.matmul %exp3A, %get3A_37, %dot_general3A_38 {dimension_numbers = #tpu.dot_dimension_numbers<[1], [0], [0], [1], [0, 0, 1, 1], [], []>, transpose_lhs_hint = false} : vector<2048x16xf32>, vector<16x128xf32>, vector<2048x128xf32> -> vector<2048x128xf32>
    %add3A_40 = arith.addf %dot_general3A_34, %dot_general3A_39 : vector<2048x128xf32>
    %get3A_41 = arith.constant 0 : index
    %get3A_42 = arith.constant 0 : index
    %get3A_43 = vector.load %arg4[%get3A_41, %get3A_42] : memref<1x128xf32, #tpu.memory_space<vmem>>, vector<1x128xf32>
    %mul3A_44 = vector.broadcast %get3A_13 : vector<2048x1xf32> to vector<2048x128xf32>
    %mul3A_45 = vector.broadcast %get3A_43 : vector<1x128xf32> to vector<2048x128xf32>
    %mul3A_46 = arith.mulf %mul3A_44, %mul3A_45 : vector<2048x128xf32>
    %add3A_47 = arith.addf %add3A_40, %mul3A_46 : vector<2048x128xf32>
    %get3A_48 = arith.constant 0 : index
    %get3A_49 = arith.constant 0 : index
    %get3A_50 = vector.load %arg5[%get3A_48, %get3A_49] : memref<1x128xf32, #tpu.memory_space<vmem>>, vector<1x128xf32>
    %add3A_51 = vector.broadcast %get3A_50 : vector<1x128xf32> to vector<2048x128xf32>
    %add3A_52 = arith.addf %add3A_47, %add3A_51 : vector<2048x128xf32>
    %reduce_sum3A = arith.constant dense<0.000000e+00> : vector<2048xf32>
    %reduce_sum3A_53 = vector.multi_reduction <add>, %add3A_52, %reduce_sum3A [1] : vector<2048x128xf32> to vector<2048xf32>
    %broadcast_in_dim3A = vector.shape_cast %reduce_sum3A_53 : vector<2048xf32> to vector<2048x1xf32>
    %mul3A_54 = arith.constant 7.812500e-03 : f32
    %mul3A_55 = vector.broadcast %mul3A_54 : f32 to vector<2048x1xf32>
    %mul3A_56 = arith.mulf %broadcast_in_dim3A, %mul3A_55 : vector<2048x1xf32>
    %sub3A_57 = vector.broadcast %mul3A_56 : vector<2048x1xf32> to vector<2048x128xf32>
    %sub3A_58 = arith.subf %add3A_52, %sub3A_57 : vector<2048x128xf32>
    %mul3A_59 = arith.mulf %sub3A_58, %sub3A_58 : vector<2048x128xf32>
    %reduce_sum3A_60 = arith.constant dense<0.000000e+00> : vector<2048xf32>
    %reduce_sum3A_61 = vector.multi_reduction <add>, %mul3A_59, %reduce_sum3A_60 [1] : vector<2048x128xf32> to vector<2048xf32>
    %broadcast_in_dim3A_62 = vector.shape_cast %reduce_sum3A_61 : vector<2048xf32> to vector<2048x1xf32>
    %mul3A_63 = arith.constant 7.812500e-03 : f32
    %mul3A_64 = vector.broadcast %mul3A_63 : f32 to vector<2048x1xf32>
    %mul3A_65 = arith.mulf %broadcast_in_dim3A_62, %mul3A_64 : vector<2048x1xf32>
    %add3A_66 = arith.constant 9.99999974E-6 : f32
    %add3A_67 = vector.broadcast %add3A_66 : f32 to vector<2048x1xf32>
    %add3A_68 = arith.addf %mul3A_65, %add3A_67 : vector<2048x1xf32>
    %rsqrt3A = math.rsqrt %add3A_68 : vector<2048x1xf32>
    %mul3A_69 = vector.broadcast %rsqrt3A : vector<2048x1xf32> to vector<2048x128xf32>
    %mul3A_70 = arith.mulf %sub3A_58, %mul3A_69 : vector<2048x128xf32>
    %get3A_71 = arith.constant 0 : index
    %get3A_72 = arith.constant 0 : index
    %get3A_73 = vector.load %arg6[%get3A_71, %get3A_72] : memref<1x128xf32, #tpu.memory_space<vmem>>, vector<1x128xf32>
    %mul3A_74 = vector.broadcast %get3A_73 : vector<1x128xf32> to vector<2048x128xf32>
    %mul3A_75 = arith.mulf %mul3A_70, %mul3A_74 : vector<2048x128xf32>
    %get3A_76 = arith.constant 0 : index
    %get3A_77 = arith.constant 0 : index
    %get3A_78 = vector.load %arg7[%get3A_76, %get3A_77] : memref<1x128xf32, #tpu.memory_space<vmem>>, vector<1x128xf32>
    %add3A_79 = vector.broadcast %get3A_78 : vector<1x128xf32> to vector<2048x128xf32>
    %add3A_80 = arith.addf %mul3A_75, %add3A_79 : vector<2048x128xf32>
    %swap3A = arith.constant 0 : index
    %swap3A_81 = arith.constant 0 : index
    %swap3A_82 = vector.load %arg8[%swap3A, %swap3A_81] : memref<2048x128xf32, #tpu.memory_space<vmem>>, vector<2048x128xf32>
    tpu.vector_store %arg8[%swap3A, %swap3A_81], %add3A_80 {strides = array<i32>} : memref<2048x128xf32, #tpu.memory_space<vmem>>, vector<2048x128xf32>,
    return
  }
  func.func @transform_0(%arg0: i32) -> (i32, i32, i32) {
    %c0_i32 = arith.constant 0 : i32
    %c0_i32_0 = arith.constant 0 : i32
    %c0_i32_1 = arith.constant 0 : i32
    return %arg0, %c0_i32, %c0_i32_0 : i32, i32, i32
  }
  func.func @transform_1(%arg0: i32) -> (i32, i32) {
    %c0_i32 = arith.constant 0 : i32
    %c0_i32_0 = arith.constant 0 : i32
    %c0_i32_1 = arith.constant 0 : i32
    return %c0_i32, %c0_i32_0 : i32, i32
  }
  func.func @transform_2(%arg0: i32) -> (i32, i32) {
    %c0_i32 = arith.constant 0 : i32
    %c0_i32_0 = arith.constant 0 : i32
    %c0_i32_1 = arith.constant 0 : i32
    return %c0_i32, %c0_i32_0 : i32, i32
  }
  func.func @transform_3(%arg0: i32) -> (i32, i32) {
    %c0_i32 = arith.constant 0 : i32
    %c0_i32_0 = arith.constant 0 : i32
    %c0_i32_1 = arith.constant 0 : i32
    return %c0_i32, %c0_i32_0 : i32, i32
  }
  func.func @transform_4(%arg0: i32) -> (i32, i32) {
    %c0_i32 = arith.constant 0 : i32
    %c0_i32_0 = arith.constant 0 : i32
    %c0_i32_1 = arith.constant 0 : i32
    return %c0_i32, %c0_i32_0 : i32, i32
  }
  func.func @transform_5(%arg0: i32) -> (i32, i32) {
    %c0_i32 = arith.constant 0 : i32
    %c0_i32_0 = arith.constant 0 : i32
    %c0_i32_1 = arith.constant 0 : i32
    return %c0_i32, %c0_i32_0 : i32, i32
  }
  func.func @transform_6(%arg0: i32) -> (i32, i32) {
    %c0_i32 = arith.constant 0 : i32
    %c0_i32_0 = arith.constant 0 : i32
    %c0_i32_1 = arith.constant 0 : i32
    return %c0_i32, %c0_i32_0 : i32, i32
  }
  func.func @transform_7(%arg0: i32) -> (i32, i32) {
    %c0_i32 = arith.constant 0 : i32
    %c0_i32_0 = arith.constant 0 : i32
    return %arg0, %c0_i32 : i32, i32
  }
}

</mosaic_0001>

<sc_bundles>
// kernel: kernel.6.cloned.1.call-start
scs
__scs_entry_jumppad:
0x0: {  	(pc) =	sbr.rel $0x88, $3  }
0x1: {  	(tag) =	ssettag $0x0;
	lr =	simm.s32 $0x1  }
0x2: {  	[smem:$0x3F95] =	sst lr;
	_ =	strace $0xD0000000  }
0x3: {  	_ = 	snop  }
0x4: {  	_ = 	snop  }
0x5: {  	_ = 	snop  }
0x6: {  	_ = 	snop  }
0x7: {  	_ = 	snop  }
__scs_overlays_trampoline_lowered:
0x8: {  	[smem:$0x3FA4] =	sst s0  }
0x9: {  	[smem:$0x3FA5] =	sst s1  }
0xa: {  	[smem:$0x3FA6] =	sst s2  }
0xb: {  	[smem:$0x3FA7] =	sst s3  }
0xc: {  	[smem:$0x3FA8] =	sst s4  }
0xd: {  	[smem:$0x3FA9] =	sst s5  }
0xe: {  	[smem:$0x3FAA] =	sst s6  }
0xf: {  	[smem:$0x3FAB] =	sst s7  }
0x10: {  	[smem:$0x3FAC] =	sst s8  }
0x11: {  	[smem:$0x3FAD] =	sst s9;
	s0 =	simm.s32 @!p0 $0x0  }
0x12: {  	s1 =	sld [smem:$0x3F93];
	s0 =	simm.s32 @p0 $0x1  }
0x13: {  	[smem:$0x3FAE] =	sst s0;
	s0 =	simm.s32 @!p1 $0x0  }
0x14: {  	s2 =	sld [smem:$0x3F92];
	s0 =	simm.s32 @p1 $0x1  }
0x15: {  	[smem:$0x3FAF] =	sst s0;
	s0 =	simm.s32 @!p2 $0x0  }
0x16: {  	s3 =	sld [smem:$0x3FDB];
	s0 =	simm.s32 @p2 $0x1  }
0x17: {  	s4 =	simm.s32 $0x1BF5;
	[smem:$0x3FB1] =	sst s0  }
0x18: {  	s0 =	sld [smem:$0x3F94];
	_ =	swait.ge [sflag:s4], $0x0  }
0x19: {  	s7 =	sld [smem:$0x3F95]  }
0x1a: {  	s8 =	sadd.s32 $0xFFFFE003, lr  }
0x1b: {  	s9 =	sadd.s32 $0xFFFFFEF7, lr;
	s5 =	simm.s32 $0xFFFFFFFF;
	p2 =	slt.u32 s8, $0xFFFFF086  }
0x1c: {  	p1 =	slt.u32 s9, $0xF7A;
	s5 =	simm.s32 @!p2 $0x0  }
0x1d: {  	s5 =	simm.s32 @p1 $0x1;
	p0 =	seq.s32 s7, s2  }
0x1e: {  	s7 =	smul.u32 @!p0 $0xF7A, s2;
	p2 =	seq.s32 @!p0 s5, $0x0  }
0x1f: {  	s9 =	smul.u32 $0xF7A, s1;
	s8 =	simm.s32 @!p0 $0x1BF5;
	p2 =	por !p2, p0  }
0x20: {  	[sflag:s8] =	ssyncset.s32 @!p0 $0xFFFFF086;
	s6 =	sadd.s32 @!p0 s3, s7;
	s7 =	simm.s32 @!p0 $0x108  }
0x21: {  	s3 =	sadd.s32 s3, s9;
	s6 =	sadd.s32 @!p0 $0x88, s6;
	s7 =	simm.s32 @p2 $0x1082  }
0x22: {  	[simem:s7], [sflag:s8] =	dma.local @!p0 [hbm:s6], $0xF7A  }
0x23: {  	s9 =	sor.u32 $0xD0000000, s2;
	s6 =	simm.s32 $0x108;
	_ =	swait.ge @!p0 [sflag:s8], $0x0  }
0x24: {  	s3 =	sadd.s32 $0x88, s3;
	s6 =	simm.s32 @!p1 $0x1082;
	[sflag:s4] =	ssyncset.s32 $0xFFFFF086  }
0x25: {  	[simem:s6], [sflag:s4] =	dma.local [hbm:s3], $0xF7A  }
0x26: {  	[smem:$0x3F95] =	sst s1;
	(tag) =	ssettag s2;
	_ =	strace s9  }
0x27: {  	s1 =	sld [smem:$0x3FA5]  }
0x28: {  	s2 =	sld [smem:$0x3FA6]  }
0x29: {  	s4 =	sld [smem:$0x3FA8]  }
0x2a: {  	p0 =	seq.s32 s5, $0x0;
	s5 =	sld [smem:$0x3FA9]  }
0x2b: {  	s6 =	sld [smem:$0x3FAA]  }
0x2c: {  	s7 =	sld [smem:$0x3FAB]  }
0x2d: {  	s3 =	simm.s32 $0x108;
	s8 =	sld [smem:$0x3FAC]  }
0x2e: {  	s3 =	simm.s32 @!p0 $0x1082;
	s9 =	sld [smem:$0x3FAD]  }
0x2f: {  	lr =	sadd.s32 s0, s3;
	s0 =	sld [smem:$0x3FA4]  }
0x30: {  	s3 =	sld [smem:$0x3FA7]  }
0x31: {  	[smem:$0x3FB0] =	sst s10  }
0x32: {  	s10 =	sld [smem:$0x3FAE];
	_ =	sdelay $0x3  }
0x33: {  	p0 =	seq.s32 s10, $0x1;
	s10 =	sld [smem:$0x3FB0];
	_ =	sdelay $0x3  }
0x34: {  	[smem:$0x3FB0] =	sst s10  }
0x35: {  	s10 =	sld [smem:$0x3FAF];
	_ =	sdelay $0x3  }
0x36: {  	p1 =	seq.s32 s10, $0x1;
	s10 =	sld [smem:$0x3FB0];
	_ =	sdelay $0x3  }
0x37: {  	[smem:$0x3FB0] =	sst s10  }
0x38: {  	s10 =	sld [smem:$0x3FB1]  }
0x39: {  	_ = 	snop;
	(pc) =	sbr.ind lr, $3  }
0x3a: {  	_ = 	snop  }
0x3b: {  	_ = 	snop  }
0x3c: {  	p2 =	seq.s32 s10, $0x1;
	s10 =	sld [smem:$0x3FB0]  }
0x3d: {  	_ =	shalt  }
0x3e: {  	_ =	shalt  }
0x3f: {  	_ =	shalt  }
0x40: {  	_ =	shalt  }
0x41: {  	_ =	shalt  }
0x42: {  	_ =	shalt  }
0x43: {  	_ =	shalt  }
0x44: {  	_ =	shalt  }
0x45: {  	_ =	shalt  }
0x46: {  	_ =	shalt  }
0x47: {  	_ =	shalt  }
0x48: {  	_ =	shalt  }
0x49: {  	_ =	shalt  }
0x4a: {  	_ =	shalt  }
0x4b: {  	_ =	shalt  }
0x4c: {  	_ =	shalt  }
0x4d: {  	_ =	shalt  }
0x4e: {  	_ =	shalt  }
0x4f: {  	_ =	shalt  }
0x50: {  	_ =	shalt  }
0x51: {  	_ =	shalt  }
0x52: {  	_ =	shalt  }
0x53: {  	_ =	shalt  }
0x54: {  	_ =	shalt  }
0x55: {  	_ =	shalt  }
0x56: {  	_ =	shalt  }
0x57: {  	_ =	shalt  }
0x58: {  	_ =	shalt  }
0x59: {  	_ =	shalt  }
0x5a: {  	_ =	shalt  }
0x5b: {  	_ =	shalt  }
0x5c: {  	_ =	shalt  }
0x5d: {  	_ =	shalt  }
0x5e: {  	_ =	shalt  }
0x5f: {  	_ =	shalt  }
0x60: {  	_ =	shalt  }
0x61: {  	_ =	shalt  }
0x62: {  	_ =	shalt  }
0x63: {  	_ =	shalt  }
0x64: {  	_ =	shalt  }
0x65: {  	_ =	shalt  }
0x66: {  	_ =	shalt  }
0x67: {  	_ =	shalt  }
0x68: {  	_ =	shalt  }
0x69: {  	_ =	shalt  }
0x6a: {  	_ =	shalt  }
0x6b: {  	_ =	shalt  }
0x6c: {  	_ =	shalt  }
0x6d: {  	_ =	shalt  }
0x6e: {  	_ =	shalt  }
0x6f: {  	_ =	shalt  }
0x70: {  	_ =	shalt  }
0x71: {  	_ =	shalt  }
0x72: {  	_ =	shalt  }
0x73: {  	_ =	shalt  }
0x74: {  	_ =	shalt  }
0x75: {  	_ =	shalt  }
0x76: {  	_ =	shalt  }
0x77: {  	_ =	shalt  }
0x78: {  	_ =	shalt  }
0x79: {  	_ =	shalt  }
0x7a: {  	_ =	shalt  }
0x7b: {  	_ =	shalt  }
0x7c: {  	_ =	shalt  }
0x7d: {  	_ =	shalt  }
0x7e: {  	_ =	shalt  }
0x7f: {  	_ =	shalt  }
0x80: {  	_ =	shalt  }
0x81: {  	_ =	shalt  }
0x82: {  	_ =	shalt  }
0x83: {  	_ =	shalt  }
0x84: {  	_ =	shalt  }
0x85: {  	_ =	shalt  }
0x86: {  	_ =	shalt  }
0x87: {  	_ =	shalt  }
.Lfunc_end0:
.L_simem_size_0:
called_computation_lowered:
.L_overlay_start_0:
0x88: {  	s2 =	sld [smem:$0x3FD9]  }
0x89: {  	s3 =	sld [smem:$0x3FFE];
	_ =	sdelay $0x1  }
0x8a: {  	s1 =	srdreg.scid  }
0x8b: {  	s0 =	sand.u32 $0x1, s1  }
0x8c: {  	s14 =	sshll.u32 s0, $0xA;
	s2 =	sadd.s32 s3, s2  }
0x8d: {  	s2 =	sadd.s32 s2, s14  }
0x8e: {  	[smem:$0x3FBC] =	sst s2  }
0x8f: {  	_ = 	snop  }
0x90: {  	s2 =	sld [smem:$0x3FD0];
	_ =	sdelay $0x2  }
0x91: {  	s15 =	simm.s32 $0xA;
	s4 =	simm.s32 $0x10  }
0x92: {  	[smem:s4], [sflag:s15] =	dma.local [hbm:s2], $0x1  }
0x93: {  	_ =	swait.eq [sflag:s15], $0x1  }
0x94: {  	[sflag:s15] =	ssyncset.done $0x0  }
0x95: {  	s16 =	sld [smem:$0x10];
	[sflag:s15] =	ssyncadd.s32 $0xFFFFFFFF  }
0x96: {  	s17 =	sld [smem:$0x12];
	(tm) =	ssettm $0x1  }
0x97: {  	s18 =	sld [smem:$0x3FFB];
	_ =	sdelay $0x3  }
0x98: {  	_ =	strace s18  }
0x99: {  	s4 =	sld [smem:$0x3FFC];
	_ =	sdelay $0x3  }
0x9a: {  	_ =	strace s4  }
0x9b: {  	s4 =	sld [smem:$0x3FFD];
	_ =	sdelay $0x3  }
0x9c: {  	_ =	strace s4  }
0x9d: {  	_ =	strace $0x8FFFFFFF  }
0x9e: {  	s19 =	sld [smem:$0x3FDB];
	_ =	sdelay $0x1  }
0x9f: {  	s5 =	simm.s32 $_scs_section_size  }
0xa0: {  	s6 =	simm.s32 $_size__tile_overlayer_lowered;
	s7 =	simm.s32 $_tile_overlayer_lowered  }
0xa1: {  	s22 =	simm.s32 $0x1BFF;
	s21 =	sshll.u32 s7, $0x1;
	s4 =	sadd.s32 s5, s19  }
0xa2: {  	s8 =	simm.s32 $0x0;
	s20 =	sshll.u32 s6, $0x1;
	s6 =	sadd.s32 s21, s4  }
0xa3: {  	[timem:s8], [sflag:s22] =	dma.local [hbm:s6], s20  }
0xa4: {  	_ =	swait.ge [sflag:s22], s20  }
0xa5: {  	s5 =	ssub.s32 $0x0, s20;
	[sflag:s22] =	ssyncset.done $0x0  }
0xa6: {  	[sflag:s22] =	ssyncadd.s32 s5;
	_ =	sdelay $0x1  }
0xa7: {  	s23 =	simm.s32 $0x1B8B  }
0xa8: {  	_ =	swait.ge [sflag:s23], $0x1  }
0xa9: {  	[sflag:s23] =	ssyncset.done $0x0  }
0xaa: {  	s25 =	simm.s32 $0x1B8E;
	s24 =	sld [smem:$0x3FFE];
	[sflag:s23] =	ssyncadd.s32 $0xFFFFFFFF  }
0xab: {  	s26 =	simm.s32 $execute0_lowered;
	[smem:$0x3FD2] =	sst s25  }
0xac: {  	s6 =	sshll.u32 s26, $0x1;
	_ =	strace $0x80000046;
	[dreg:$0x1] =	wrdreg $0xFFFFFFFF  }
0xad: {  	s28 =	simm.s32 $_size_execute0_lowered;
	s4 =	sadd.s32 s4, s6;
	[dreg:$0x0] =	wrdreg $0x0  }
0xae: {  	s6 =	sshll.u32 s28, $0x1;
	[dreg:$0x2] =	wrdreg s4  }
0xaf: {  	[dreg:$0x3] =	wrdreg s6  }
0xb0: {  	[dreg:$0x4] =	wrdreg $0xC0  }
0xb1: {  	_ =	task [dreg:s8], $0x5FFFF  }
0xb2: {  	[dreg:$0x1] =	wrdreg $0xFFFFFFFF  }
0xb3: {  	[dreg:$0x0] =	wrdreg $0x60  }
0xb4: {  	[dreg:$0x2] =	wrdreg s16  }
0xb5: {  	[dreg:$0x3] =	wrdreg s17  }
0xb6: {  	[dreg:$0x4] =	wrdreg s24  }
0xb7: {  	[dreg:$0x5] =	wrdreg $0x9  }
0xb8: {  	_ =	task.clear_ibuf [dreg:s8], $0x6FFFF;
	_ =	strace $0x90000046  }
0xb9: {  	s29 =	simm.s32 $0x9;
	_ =	strace $0x80000048  }
0xba: {  	_ =	swait.ge [sflag:s29], $0x1  }
0xbb: {  	[sflag:s29] =	ssyncadd.s32 $0xFFFFFFFF  }
0xbc: {  	_ =	strace $0x90000048  }
0xbd: {  	_ =	sfence  }
0xbe: {  	s30 =	sld [smem:$0x0];
	_ =	sdelay $0x2  }
0xbf: {  	s31 =	sshll.u32 s1, $0xD;
	s1 =	sshrl.u32 s1, $0x2  }
0xc0: {  	s3 =	sand.u32 $0x4000, s31;
	s1 =	sadd.s32 s1, s30  }
0xc1: {  	s0 =	sor.u32 s3, s0;
	s1 =	sshll.u32 s1, $0x11  }
0xc2: {  	s0 =	sor.u32 s1, s0  }
0xc3: {  	s0 =	sadd.s32 $0x8F2B, s0  }
0xc4: {  	[sflag:s0] =	ssyncadd.remote.s32 $0x1  }
0xc5: {  	_ =	sfence.sel $0xFFFF  }
0xc6: {  	[dreg:$0x0] =	wrdreg $0xFFFFFFFF;
	(pc) =	sbr.abs _section_cstart, $3  }
0xc7: {  	[dreg:$0x1] =	wrdreg $0xFFFFFFFF  }
0xc8: {  	_ =	task.clear_ibuf [dreg:s8], $0x2FFFF;
	_ =	strace $0x9FFFFFFF  }
0xc9: {  	(tm) =	ssettm $0x7FFFFFFF  }
tec
execute0_lowered:
.L_overlay_start_1:
0x0: {  	(tag) =	ssettag $0x1  }
0x1: {  	s1 =	srdreg.scid  }
0x2: {  	s0 =	stileid.u32;
	s5 =	sand.u32 $0x1, s1  }
0x3: {  	s7 =	sshll.u32 s0, $0x9;
	s8 =	sshll.u32 s5, $0x8  }
0x4: {  	s5 =	ssub.s32 $0x2, s5;
	s8 =	sor.u32 s8, s7  }
0x5: {  	s6 =	rddreg [dreg:$0x2];
	s31 =	sshrl.u32 s5, $0x1;
	s9 =	sshll.u32 s8, $0x4  }
0x6: {  	s6 =	sadd.s32 s9, s6;
	s9 =	ssub.s32 s5, s31  }
0x7: {  	s2 =	rddreg [dreg:$0x0];
	s9 =	smax.u32 s9, $0x1  }
0x8: {  	s4 =	rddreg [dreg:$0x1];
	p1 =	sne.s32 s9, $0x1  }
.Ltmp0:
0x9: {  	s3 =	simm.s32 $0x0;
	s1 =	rddreg [dreg:$0x3];
	(pc) =	sbr.rel @!p1 .LBB2_3-.Ltmp0, $4  }
0xa: {  	p0 =	por $0x0, $0x0;
	[smem:$0x7FF] =	sst s3  }
0xb: {  	_ =	strace $0x80000047;
	s7 =	sand.u32 $0x1800, s7;
	s8 =	sshrl.u32 s8, $0x3  }
0xc: {  	v0 =	vmov s7;
	s7 =	simm.s32 $0x1;
	s8 =	sadd.s32 s4, s8;
	s4 =	simm.s32 $0x2  }
0xd: {  	s5 =	sadd.s32 $0x2200, s6;
	s6 =	simm.s32 $0x100;
	s9 =	sadd.s32 $0xFFFFFFFF, s9  }
0xe: {  	[tilespmem:s3], [sflag:$0x2] =	stream.linear.gather [hbm4b:s8+s3], $0x100, $0x38;
	[tilespmem:$0x8100] =	vst v63  }
0xf: {  	_ =	swait.ge [sflag:s4], $0x100  }
0x10: {  	[sflag:s4] =	ssyncset.done $0x0  }
0x11: {  	p1 =	sne.s32 s9, $0x1;
	[sflag:s4] =	ssyncadd.s32 $0xFFFFFF00  }
.Ltmp1:
0x12: {  	v3 =	vld [tilespmem:$0x30];
	(pc) =	sbr.rel @!p1 .LBB2_3-.Ltmp1, $4  }
0x13: {  	v5 =	vld [tilespmem:$0xF0]  }
0x14: {  	v4 =	vld [tilespmem:$0x40]  }
0x15: {  	v1 =	vld [tilespmem:$0xA0]  }
0x16: {  	s9 =	sadd.s32 $0xFFFFFFFF, s9;
	p0 =	por $0x1, $0x1;
	v2 =	vld [tilespmem:$0x80]  }
.LBB2_2:
0x17: {  	p1 =	sne.s32 s9, $0x1;
	s9 =	sadd.s32 $0xFFFFFFFF, s9;
	v6 =	vld [tilespmem:$0x90]  }
0x18: {  	v3 =	vadd.s32 v0, v3;
	v7 =	vld [tilespmem:$0x50];
	v5 =	vadd.s32 v0, v5  }
0x19: {  	v8 =	vld [tilespmem:$0x20];
	v4 =	vadd.s32 v0, v4;
	[tilespmem:$0xF0] =	vst v5  }
0x1a: {  	[tilespmem:$0x40] =	vst v4;
	v4 =	vld [tilespmem:$0x60];
	v1 =	vadd.s32 v0, v1  }
0x1b: {  	v5 =	vld [tilespmem:$0x10];
	[tilespmem:$0x30] =	vst v3;
	v2 =	vadd.s32 v0, v2  }
0x1c: {  	[tilespmem:$0x80] =	vst v2;
	v2 =	vadd.s32 v0, v6;
	v3 =	vld [tilespmem:$0xB0]  }
0x1d: {  	v6 =	vadd.s32 v0, v7;
	v7 =	vld [tilespmem:$0x70];
	[tilespmem:$0x90] =	vst v2  }
0x1e: {  	v2 =	vld [tilespmem:$0x0];
	v8 =	vadd.s32 v0, v8;
	[tilespmem:$0x50] =	vst v6  }
0x1f: {  	[tilespmem:$0x20] =	vst v8;
	v4 =	vadd.s32 v0, v4;
	v6 =	vld [tilespmem:$0xC0]  }
0x20: {  	v5 =	vadd.s32 v0, v5;
	[tilespmem:$0x60] =	vst v4;
	v4 =	vld [tilespmem:$0xD0]  }
0x21: {  	[tilespmem:$0x10] =	vst v5;
	v3 =	vadd.s32 v0, v3;
	v5 =	vld [tilespmem:$0xE0]  }
0x22: {  	v7 =	vadd.s32 v0, v7;
	[tilespmem:$0xB0] =	vst v3  }
0x23: {  	v2 =	vadd.s32 v0, v2;
	[tilespmem:$0x70] =	vst v7  }
0x24: {  	[tilespmem:$0xA0] =	vst v1;
	v1 =	vadd.s32 v0, v6  }
0x25: {  	[tilespmem:$0xC0] =	vst v1;
	v1 =	vadd.s32 v0, v4  }
0x26: {  	[tilespmem:$0x0] =	vst v2;
	v2 =	vadd.s32 v0, v5  }
0x27: {  	[tilespmem:$0xD0] =	vst v1  }
0x28: {  	[tilespmem:$0xE0] =	vst v2  }
0x29: {  	[tilespmem:s6], [sflag:$0x1] =	stream.indirect.gather [hbm4b:s2+s6], $0x80, s3, s6, $0xb8;
	[tilespmem:$0x8100] =	vst v63  }
0x2a: {  	_ =	swait.ge [sflag:s7], $0x8000  }
0x2b: {  	[sflag:s7] =	ssyncset.done $0x0  }
0x2c: {  	[sflag:s7] =	ssyncadd.s32 $0xFFFF8000  }
0x2d: {  	[hbm4b:s5+s3] =	stream.linear.scatter [tilespmem:s6], [sflag:$0x2], $0x8000, $0x38;
	[tilespmem:$0x8100] =	vst v63  }
0x2e: {  	_ =	swait.ge [sflag:s4], $0x8000  }
0x2f: {  	[sflag:s4] =	ssyncset.done $0x0  }
0x30: {  	[sflag:s4] =	ssyncadd.s32 $0xFFFF8000  }
0x31: {  	[tilespmem:s3], [sflag:$0x2] =	stream.linear.gather [hbm4b:s8+s3], $0x100, $0x38;
	[tilespmem:$0x8100] =	vst v63  }
0x32: {  	_ =	swait.ge [sflag:s4], $0x100  }
0x33: {  	[sflag:s4] =	ssyncset.done $0x0  }
0x34: {  	[sflag:s4] =	ssyncadd.s32 $0xFFFFFF00  }
.Ltmp2:
0x35: {  	v3 =	vld [tilespmem:$0x30];
	(pc) =	sbr.rel @p1 .LBB2_2-.Ltmp2, $4  }
0x36: {  	v5 =	vld [tilespmem:$0xF0]  }
0x37: {  	v4 =	vld [tilespmem:$0x40]  }
0x38: {  	v1 =	vld [tilespmem:$0xA0]  }
0x39: {  	v2 =	vld [tilespmem:$0x80]  }
.LBB2_3:
0x3a: {  	v6 =	vld @p0 [tilespmem:$0x90];
	v3 =	vadd.s32 @p0 v0, v3  }
0x3b: {  	v7 =	vld @p0 [tilespmem:$0x50];
	v5 =	vadd.s32 @p0 v0, v5;
	[tilespmem:$0x30] =	vst @p0 v3  }
0x3c: {  	v8 =	vld @p0 [tilespmem:$0x20];
	v4 =	vadd.s32 @p0 v0, v4;
	[tilespmem:$0xF0] =	vst @p0 v5  }
0x3d: {  	[tilespmem:$0x40] =	vst @p0 v4;
	v4 =	vld @p0 [tilespmem:$0x60];
	v1 =	vadd.s32 @p0 v0, v1  }
0x3e: {  	v5 =	vld @p0 [tilespmem:$0x10];
	v2 =	vadd.s32 @p0 v0, v2;
	[tilespmem:$0xA0] =	vst @p0 v1  }
0x3f: {  	v3 =	vld @p0 [tilespmem:$0xB0];
	[tilespmem:$0x80] =	vst @p0 v2;
	v2 =	vadd.s32 @p0 v0, v6  }
0x40: {  	v6 =	vadd.s32 @p0 v0, v7;
	v7 =	vld @p0 [tilespmem:$0x70];
	[tilespmem:$0x90] =	vst @p0 v2  }
0x41: {  	v2 =	vadd.s32 @p0 v0, v8;
	[tilespmem:$0x50] =	vst @p0 v6;
	v6 =	vld @p0 [tilespmem:$0x0]  }
0x42: {  	[tilespmem:$0x20] =	vst @p0 v2;
	v2 =	vadd.s32 @p0 v0, v4;
	v4 =	vld @p0 [tilespmem:$0xC0]  }
0x43: {  	v5 =	vadd.s32 @p0 v0, v5;
	[tilespmem:$0x60] =	vst @p0 v2;
	v2 =	vld @p0 [tilespmem:$0xD0]  }
0x44: {  	v3 =	vadd.s32 @p0 v0, v3;
	[tilespmem:$0x10] =	vst @p0 v5;
	v5 =	vld @p0 [tilespmem:$0xE0]  }
0x45: {  	[tilespmem:$0xB0] =	vst @p0 v3;
	v7 =	vadd.s32 @p0 v0, v7  }
0x46: {  	[tilespmem:$0x70] =	vst @p0 v7;
	v3 =	vadd.s32 @p0 v0, v6  }
0x47: {  	[tilespmem:$0x0] =	vst @p0 v3;
	v1 =	vadd.s32 @p0 v0, v4  }
0x48: {  	[tilespmem:$0xC0] =	vst @p0 v1;
	v1 =	vadd.s32 @p0 v0, v2  }
0x49: {  	v2 =	vadd.s32 @p0 v0, v5;
	[tilespmem:$0xD0] =	vst @p0 v1  }
0x4a: {  	[tilespmem:$0xE0] =	vst @p0 v2  }
0x4b: {  	[tilespmem:s6], [sflag:$0x1] =	stream.indirect.gather @p0 [hbm4b:s2+s6], $0x80, s3, s6, $0xb8;
	[tilespmem:$0x8100] =	vst v63  }
0x4c: {  	_ =	swait.ge @p0 [sflag:s7], $0x8000  }
0x4d: {  	[sflag:s7] =	ssyncset.done @p0 $0x0  }
0x4e: {  	[sflag:s7] =	ssyncadd.s32 @p0 $0xFFFF8000  }
0x4f: {  	[hbm4b:s5+s3] =	stream.linear.scatter @p0 [tilespmem:s6], [sflag:$0x2], $0x8000, $0x38;
	[tilespmem:$0x8100] =	vst v63  }
0x50: {  	_ =	swait.ge @p0 [sflag:s4], $0x8000  }
0x51: {  	[sflag:s4] =	ssyncset.done @p0 $0x0  }
0x52: {  	[sflag:s4] =	ssyncadd.s32 @p0 $0xFFFF8000  }
0x53: {  	[tilespmem:s3], [sflag:$0x2] =	stream.linear.gather [hbm4b:s8+s3], $0x100, $0x38;
	[tilespmem:$0x8100] =	vst v63  }
0x54: {  	_ =	swait.ge [sflag:s4], $0x100  }
0x55: {  	[sflag:s4] =	ssyncset.done $0x0  }
0x56: {  	[sflag:s4] =	ssyncadd.s32 $0xFFFFFF00  }
0x57: {  	v39 =	vld [tilespmem:$0xF0]  }
0x58: {  	v40 =	vld [tilespmem:$0x40]  }
0x59: {  	v41 =	vld [tilespmem:$0x30]  }
0x5a: {  	v42 =	vld [tilespmem:$0x80]  }
0x5b: {  	v43 =	vld [tilespmem:$0x90]  }
0x5c: {  	v44 =	vld [tilespmem:$0x50];
	v1 =	vadd.s32 v0, v39  }
0x5d: {  	v45 =	vld [tilespmem:$0x20];
	v2 =	vadd.s32 v0, v40;
	[tilespmem:$0xF0] =	vst v1  }
0x5e: {  	v48 =	vld [tilespmem:$0x10];
	v46 =	vadd.s32 v0, v41;
	[tilespmem:$0x40] =	vst v2  }
0x5f: {  	v51 =	vld [tilespmem:$0xB0];
	v49 =	vadd.s32 v0, v42;
	[tilespmem:$0x30] =	vst v46  }
0x60: {  	v53 =	vld [tilespmem:$0x70];
	v50 =	vadd.s32 v0, v43;
	[tilespmem:$0x80] =	vst v49  }
0x61: {  	v55 =	vld [tilespmem:$0xC0];
	v52 =	vadd.s32 v0, v44;
	[tilespmem:$0x90] =	vst v50  }
0x62: {  	v56 =	vld [tilespmem:$0x0];
	v7 =	vadd.s32 v0, v45;
	[tilespmem:$0x50] =	vst v52  }
0x63: {  	v57 =	vld [tilespmem:$0xD0];
	v3 =	vadd.s32 v0, v48;
	[tilespmem:$0x20] =	vst v7  }
0x64: {  	v59 =	vld [tilespmem:$0xE0];
	v58 =	vadd.s32 v0, v51;
	[tilespmem:$0x10] =	vst v3  }
0x65: {  	v47 =	vld [tilespmem:$0x60];
	v6 =	vadd.s32 v0, v53;
	[tilespmem:$0xB0] =	vst v58  }
0x66: {  	v54 =	vld [tilespmem:$0xA0];
	v60 =	vadd.s32 v0, v55;
	[tilespmem:$0x70] =	vst v6  }
0x67: {  	v61 =	vadd.s32 v0, v56;
	[tilespmem:$0xC0] =	vst v60  }
0x68: {  	v62 =	vadd.s32 v0, v57;
	[tilespmem:$0x0] =	vst v61  }
0x69: {  	v63 =	vadd.s32 v0, v59;
	[tilespmem:$0xD0] =	vst v62  }
0x6a: {  	v2 =	vadd.s32 v0, v47;
	[tilespmem:$0xE0] =	vst v63  }
0x6b: {  	v1 =	vadd.s32 v0, v54;
	[tilespmem:$0x60] =	vst v2  }
0x6c: {  	[tilespmem:$0xA0] =	vst v1  }
0x6d: {  	[tilespmem:s6], [sflag:$0x1] =	stream.indirect.gather [hbm4b:s2+s6], $0x80, s3, s6, $0xb8;
	[tilespmem:$0x8100] =	vst v63  }
0x6e: {  	_ =	swait.ge [sflag:s7], $0x8000  }
0x6f: {  	[sflag:s7] =	ssyncset.done $0x0  }
0x70: {  	[sflag:s7] =	ssyncadd.s32 $0xFFFF8000  }
0x71: {  	[hbm4b:s5+s3] =	stream.linear.scatter [tilespmem:s6], [sflag:$0x2], $0x8000, $0x38;
	[tilespmem:$0x8100] =	vst v63  }
0x72: {  	_ =	swait.ge [sflag:s4], $0x8000  }
0x73: {  	[sflag:s4] =	ssyncset.done $0x0  }
0x74: {  	[sflag:s4] =	ssyncadd.s32 $0xFFFF8000  }
0x75: {  	_ =	sfence.sel $0x180000  }
0x76: {  	[bflag:$0x0] =	sbarrier.arrive $0xFFFF  }
0x77: {  	p0 =	sne.s32 s0, $0x0;
	_ =	strace $0x90000047  }
0x78: {  	s0 =	sadd.s32 @!p0 $0x100000, s1;
	[bflag:$0x2] =	sbarrier.arrive $0xFFFF  }
0x79: {  	[sflag:s0] =	ssyncadd.tile.s32 @!p0 $0x1;
	_ =	shalt  }
.Lfunc_end2:
_tile_overlayer_lowered:
.L_overlay_start_2:
0x7a: {  	(tag) =	ssettag $0x2  }
0x7b: {  	s0 =	rddreg [dreg:$0x0];
	s2 =	stileid.u32  }
0x7c: {  	s1 =	rddreg [dreg:$0x1];
	p0 =	sne.s32 s2, $0x0  }
0x7d: {  	s3 =	rddreg [dreg:$0x2];
	[bflag:$0x3] =	sbarrier.arrive $0xFFFF;
	s2 =	simm.s32 @!p0 $0x1C02  }
0x7e: {  	[timem:s3], [sflag:s2] =	dma.local @!p0 [hbm:s0], s1  }
0x7f: {  	s0 =	simm.s32 @!p0 $0x2  }
0x80: {  	_ =	swait.ge @!p0 [sflag:s0], s1  }
0x81: {  	s1 =	ssub.s32 @!p0 $0x0, s1;
	[sflag:s0] =	ssyncset.done @!p0 $0x0  }
0x82: {  	[sflag:s0] =	ssyncadd.s32 @!p0 s1  }
0x83: {  	[bflag:$0x3] =	sbarrier.arrive $0xFFFF  }
0x84: {  	_ =	shalt  }

// kernel: kernel.9.cloned.1.call-start
scs
__scs_entry_jumppad:
0x0: {  	(pc) =	sbr.rel $0x88, $3  }
0x1: {  	(tag) =	ssettag $0x0;
	lr =	simm.s32 $0x1  }
0x2: {  	[smem:$0x3F95] =	sst lr;
	_ =	strace $0xD0000000  }
0x3: {  	_ = 	snop  }
0x4: {  	_ = 	snop  }
0x5: {  	_ = 	snop  }
0x6: {  	_ = 	snop  }
0x7: {  	_ = 	snop  }
__scs_overlays_trampoline_lowered:
0x8: {  	[smem:$0x3FA4] =	sst s0  }
0x9: {  	[smem:$0x3FA5] =	sst s1  }
0xa: {  	[smem:$0x3FA6] =	sst s2  }
0xb: {  	[smem:$0x3FA7] =	sst s3  }
0xc: {  	[smem:$0x3FA8] =	sst s4  }
0xd: {  	[smem:$0x3FA9] =	sst s5  }
0xe: {  	[smem:$0x3FAA] =	sst s6  }
0xf: {  	[smem:$0x3FAB] =	sst s7  }
0x10: {  	[smem:$0x3FAC] =	sst s8  }
0x11: {  	[smem:$0x3FAD] =	sst s9;
	s0 =	simm.s32 @!p0 $0x0  }
0x12: {  	s1 =	sld [smem:$0x3F93];
	s0 =	simm.s32 @p0 $0x1  }
0x13: {  	[smem:$0x3FAE] =	sst s0;
	s0 =	simm.s32 @!p1 $0x0  }
0x14: {  	s2 =	sld [smem:$0x3F92];
	s0 =	simm.s32 @p1 $0x1  }
0x15: {  	[smem:$0x3FAF] =	sst s0;
	s0 =	simm.s32 @!p2 $0x0  }
0x16: {  	s3 =	sld [smem:$0x3FDB];
	s0 =	simm.s32 @p2 $0x1  }
0x17: {  	s4 =	simm.s32 $0x1BF5;
	[smem:$0x3FB1] =	sst s0  }
0x18: {  	s0 =	sld [smem:$0x3F94];
	_ =	swait.ge [sflag:s4], $0x0  }
0x19: {  	s7 =	sld [smem:$0x3F95]  }
0x1a: {  	s8 =	sadd.s32 $0xFFFFE003, lr  }
0x1b: {  	s9 =	sadd.s32 $0xFFFFFEF7, lr;
	s5 =	simm.s32 $0xFFFFFFFF;
	p2 =	slt.u32 s8, $0xFFFFF086  }
0x1c: {  	p1 =	slt.u32 s9, $0xF7A;
	s5 =	simm.s32 @!p2 $0x0  }
0x1d: {  	s5 =	simm.s32 @p1 $0x1;
	p0 =	seq.s32 s7, s2  }
0x1e: {  	s7 =	smul.u32 @!p0 $0xF7A, s2;
	p2 =	seq.s32 @!p0 s5, $0x0  }
0x1f: {  	s9 =	smul.u32 $0xF7A, s1;
	s8 =	simm.s32 @!p0 $0x1BF5;
	p2 =	por !p2, p0  }
0x20: {  	[sflag:s8] =	ssyncset.s32 @!p0 $0xFFFFF086;
	s6 =	sadd.s32 @!p0 s3, s7;
	s7 =	simm.s32 @!p0 $0x108  }
0x21: {  	s3 =	sadd.s32 s3, s9;
	s6 =	sadd.s32 @!p0 $0x88, s6;
	s7 =	simm.s32 @p2 $0x1082  }
0x22: {  	[simem:s7], [sflag:s8] =	dma.local @!p0 [hbm:s6], $0xF7A  }
0x23: {  	s9 =	sor.u32 $0xD0000000, s2;
	s6 =	simm.s32 $0x108;
	_ =	swait.ge @!p0 [sflag:s8], $0x0  }
0x24: {  	s3 =	sadd.s32 $0x88, s3;
	s6 =	simm.s32 @!p1 $0x1082;
	[sflag:s4] =	ssyncset.s32 $0xFFFFF086  }
0x25: {  	[simem:s6], [sflag:s4] =	dma.local [hbm:s3], $0xF7A  }
0x26: {  	[smem:$0x3F95] =	sst s1;
	(tag) =	ssettag s2;
	_ =	strace s9  }
0x27: {  	s1 =	sld [smem:$0x3FA5]  }
0x28: {  	s2 =	sld [smem:$0x3FA6]  }
0x29: {  	s4 =	sld [smem:$0x3FA8]  }
0x2a: {  	p0 =	seq.s32 s5, $0x0;
	s5 =	sld [smem:$0x3FA9]  }
0x2b: {  	s6 =	sld [smem:$0x3FAA]  }
0x2c: {  	s7 =	sld [smem:$0x3FAB]  }
0x2d: {  	s3 =	simm.s32 $0x108;
	s8 =	sld [smem:$0x3FAC]  }
0x2e: {  	s3 =	simm.s32 @!p0 $0x1082;
	s9 =	sld [smem:$0x3FAD]  }
0x2f: {  	lr =	sadd.s32 s0, s3;
	s0 =	sld [smem:$0x3FA4]  }
0x30: {  	s3 =	sld [smem:$0x3FA7]  }
0x31: {  	[smem:$0x3FB0] =	sst s10  }
0x32: {  	s10 =	sld [smem:$0x3FAE];
	_ =	sdelay $0x3  }
0x33: {  	p0 =	seq.s32 s10, $0x1;
	s10 =	sld [smem:$0x3FB0];
	_ =	sdelay $0x3  }
0x34: {  	[smem:$0x3FB0] =	sst s10  }
0x35: {  	s10 =	sld [smem:$0x3FAF];
	_ =	sdelay $0x3  }
0x36: {  	p1 =	seq.s32 s10, $0x1;
	s10 =	sld [smem:$0x3FB0];
	_ =	sdelay $0x3  }
0x37: {  	[smem:$0x3FB0] =	sst s10  }
0x38: {  	s10 =	sld [smem:$0x3FB1]  }
0x39: {  	_ = 	snop;
	(pc) =	sbr.ind lr, $3  }
0x3a: {  	_ = 	snop  }
0x3b: {  	_ = 	snop  }
0x3c: {  	p2 =	seq.s32 s10, $0x1;
	s10 =	sld [smem:$0x3FB0]  }
0x3d: {  	_ =	shalt  }
0x3e: {  	_ =	shalt  }
0x3f: {  	_ =	shalt  }
0x40: {  	_ =	shalt  }
0x41: {  	_ =	shalt  }
0x42: {  	_ =	shalt  }
0x43: {  	_ =	shalt  }
0x44: {  	_ =	shalt  }
0x45: {  	_ =	shalt  }
0x46: {  	_ =	shalt  }
0x47: {  	_ =	shalt  }
0x48: {  	_ =	shalt  }
0x49: {  	_ =	shalt  }
0x4a: {  	_ =	shalt  }
0x4b: {  	_ =	shalt  }
0x4c: {  	_ =	shalt  }
0x4d: {  	_ =	shalt  }
0x4e: {  	_ =	shalt  }
0x4f: {  	_ =	shalt  }
0x50: {  	_ =	shalt  }
0x51: {  	_ =	shalt  }
0x52: {  	_ =	shalt  }
0x53: {  	_ =	shalt  }
0x54: {  	_ =	shalt  }
0x55: {  	_ =	shalt  }
0x56: {  	_ =	shalt  }
0x57: {  	_ =	shalt  }
0x58: {  	_ =	shalt  }
0x59: {  	_ =	shalt  }
0x5a: {  	_ =	shalt  }
0x5b: {  	_ =	shalt  }
0x5c: {  	_ =	shalt  }
0x5d: {  	_ =	shalt  }
0x5e: {  	_ =	shalt  }
0x5f: {  	_ =	shalt  }
0x60: {  	_ =	shalt  }
0x61: {  	_ =	shalt  }
0x62: {  	_ =	shalt  }
0x63: {  	_ =	shalt  }
0x64: {  	_ =	shalt  }
0x65: {  	_ =	shalt  }
0x66: {  	_ =	shalt  }
0x67: {  	_ =	shalt  }
0x68: {  	_ =	shalt  }
0x69: {  	_ =	shalt  }
0x6a: {  	_ =	shalt  }
0x6b: {  	_ =	shalt  }
0x6c: {  	_ =	shalt  }
0x6d: {  	_ =	shalt  }
0x6e: {  	_ =	shalt  }
0x6f: {  	_ =	shalt  }
0x70: {  	_ =	shalt  }
0x71: {  	_ =	shalt  }
0x72: {  	_ =	shalt  }
0x73: {  	_ =	shalt  }
0x74: {  	_ =	shalt  }
0x75: {  	_ =	shalt  }
0x76: {  	_ =	shalt  }
0x77: {  	_ =	shalt  }
0x78: {  	_ =	shalt  }
0x79: {  	_ =	shalt  }
0x7a: {  	_ =	shalt  }
0x7b: {  	_ =	shalt  }
0x7c: {  	_ =	shalt  }
0x7d: {  	_ =	shalt  }
0x7e: {  	_ =	shalt  }
0x7f: {  	_ =	shalt  }
0x80: {  	_ =	shalt  }
0x81: {  	_ =	shalt  }
0x82: {  	_ =	shalt  }
0x83: {  	_ =	shalt  }
0x84: {  	_ =	shalt  }
0x85: {  	_ =	shalt  }
0x86: {  	_ =	shalt  }
0x87: {  	_ =	shalt  }
.Lfunc_end0:
.L_simem_size_0:
called_computation.1_lowered:
.L_overlay_start_0:
0x88: {  	s2 =	sld [smem:$0x3FD9]  }
0x89: {  	s3 =	sld [smem:$0x3FFE];
	_ =	sdelay $0x1  }
0x8a: {  	s1 =	srdreg.scid  }
0x8b: {  	s0 =	sand.u32 $0x1, s1  }
0x8c: {  	s14 =	sshll.u32 s0, $0xA;
	s2 =	sadd.s32 s3, s2  }
0x8d: {  	s2 =	sadd.s32 s2, s14  }
0x8e: {  	[smem:$0x3FBC] =	sst s2  }
0x8f: {  	_ = 	snop  }
0x90: {  	s2 =	sld [smem:$0x3FD0];
	_ =	sdelay $0x2  }
0x91: {  	s4 =	simm.s32 $0xA;
	s5 =	simm.s32 $0x10;
	s15 =	sld [smem:$0x3FC4]  }
0x92: {  	[smem:s5], [sflag:s4] =	dma.local [hbm:s2], $0x1  }
0x93: {  	_ =	swait.eq [sflag:s4], $0x1  }
0x94: {  	[sflag:s4] =	ssyncset.done $0x0  }
0x95: {  	[sflag:s4] =	ssyncadd.s32 $0xFFFFFFFF  }
0x96: {  	s16 =	sld [smem:$0x10];
	(tm) =	ssettm $0x1  }
0x97: {  	s17 =	sld [smem:$0x3FFB];
	_ =	sdelay $0x3  }
0x98: {  	_ =	strace s17  }
0x99: {  	s4 =	sld [smem:$0x3FFC];
	_ =	sdelay $0x3  }
0x9a: {  	_ =	strace s4  }
0x9b: {  	s4 =	sld [smem:$0x3FFD];
	_ =	sdelay $0x3  }
0x9c: {  	_ =	strace s4  }
0x9d: {  	_ =	strace $0x8FFFFFFF  }
0x9e: {  	s18 =	sld [smem:$0x3FDB];
	_ =	sdelay $0x1  }
0x9f: {  	s19 =	simm.s32 $_scs_section_size  }
0xa0: {  	s6 =	simm.s32 $_size__tile_overlayer_lowered;
	s7 =	simm.s32 $_tile_overlayer_lowered  }
0xa1: {  	s22 =	simm.s32 $0x1BFF;
	s21 =	sshll.u32 s7, $0x1;
	s4 =	sadd.s32 s19, s18  }
0xa2: {  	s8 =	simm.s32 $0x0;
	s20 =	sshll.u32 s6, $0x1;
	s6 =	sadd.s32 s21, s4  }
0xa3: {  	[timem:s8], [sflag:s22] =	dma.local [hbm:s6], s20  }
0xa4: {  	_ =	swait.ge [sflag:s22], s20  }
0xa5: {  	s5 =	ssub.s32 $0x0, s20;
	[sflag:s22] =	ssyncset.done $0x0  }
0xa6: {  	[sflag:s22] =	ssyncadd.s32 s5;
	_ =	sdelay $0x1  }
0xa7: {  	s23 =	simm.s32 $0x1B8B  }
0xa8: {  	_ =	swait.ge [sflag:s23], $0x1  }
0xa9: {  	[sflag:s23] =	ssyncset.done $0x0  }
0xaa: {  	s25 =	simm.s32 $0x1B8E;
	s24 =	sld [smem:$0x3FFE];
	[sflag:s23] =	ssyncadd.s32 $0xFFFFFFFF  }
0xab: {  	s26 =	simm.s32 $execute0_lowered;
	[smem:$0x3FD2] =	sst s25  }
0xac: {  	s6 =	sshll.u32 s26, $0x1;
	_ =	strace $0x80000049;
	[dreg:$0x1] =	wrdreg $0xFFFFFFFF  }
0xad: {  	s28 =	simm.s32 $_size_execute0_lowered;
	s4 =	sadd.s32 s4, s6;
	[dreg:$0x0] =	wrdreg $0x0  }
0xae: {  	s6 =	sshll.u32 s28, $0x1;
	[dreg:$0x2] =	wrdreg s4  }
0xaf: {  	[dreg:$0x3] =	wrdreg s6  }
0xb0: {  	[dreg:$0x4] =	wrdreg $0xC0  }
0xb1: {  	_ =	task [dreg:s8], $0x5FFFF  }
0xb2: {  	[dreg:$0x1] =	wrdreg $0xFFFFFFFF  }
0xb3: {  	[dreg:$0x0] =	wrdreg $0x60  }
0xb4: {  	[dreg:$0x2] =	wrdreg s16  }
0xb5: {  	[dreg:$0x3] =	wrdreg s15  }
0xb6: {  	[dreg:$0x4] =	wrdreg s24  }
0xb7: {  	[dreg:$0x5] =	wrdreg $0x9  }
0xb8: {  	_ =	task.clear_ibuf [dreg:s8], $0x6FFFF;
	_ =	strace $0x90000049  }
0xb9: {  	s29 =	simm.s32 $0x9;
	_ =	strace $0x8000004B  }
0xba: {  	_ =	swait.ge [sflag:s29], $0x1  }
0xbb: {  	[sflag:s29] =	ssyncadd.s32 $0xFFFFFFFF  }
0xbc: {  	_ =	strace $0x9000004B  }
0xbd: {  	_ =	sfence  }
0xbe: {  	s30 =	sld [smem:$0x0];
	_ =	sdelay $0x2  }
0xbf: {  	s31 =	sshll.u32 s1, $0xD;
	s1 =	sshrl.u32 s1, $0x2  }
0xc0: {  	s3 =	sand.u32 $0x4000, s31;
	s1 =	sadd.s32 s1, s30  }
0xc1: {  	s0 =	sor.u32 s3, s0;
	s1 =	sshll.u32 s1, $0x11  }
0xc2: {  	s0 =	sor.u32 s1, s0  }
0xc3: {  	s0 =	sadd.s32 $0x8F2B, s0  }
0xc4: {  	[sflag:s0] =	ssyncadd.remote.s32 $0x1  }
0xc5: {  	_ =	sfence.sel $0xFFFF  }
0xc6: {  	[dreg:$0x0] =	wrdreg $0xFFFFFFFF;
	(pc) =	sbr.abs _section_cstart, $3  }
0xc7: {  	[dreg:$0x1] =	wrdreg $0xFFFFFFFF  }
0xc8: {  	_ =	task.clear_ibuf [dreg:s8], $0x2FFFF;
	_ =	strace $0x9FFFFFFF  }
0xc9: {  	(tm) =	ssettm $0x7FFFFFFF  }
tec
execute0_lowered:
.L_overlay_start_1:
0x0: {  	(tag) =	ssettag $0x1  }
0x1: {  	s0 =	rddreg [dreg:$0x0]  }
0x2: {  	s1 =	rddreg [dreg:$0x1]  }
0x3: {  	s3 =	rddreg [dreg:$0x2]  }
0x4: {  	s2 =	simm.s32 $0x0;
	s5 =	srdreg.scid;
	s13 =	stileid.u32  }
0x5: {  	s15 =	simm.s32 $0x4000;
	s16 =	simm.s32 $0x6000;
	s17 =	simm.s32 $0x80  }
0x6: {  	s18 =	simm.s32 $0x400;
	s19 =	simm.s32 $0x8000;
	s21 =	simm.s32 $0xA800  }
0x7: {  	s22 =	simm.s32 $0x0;
	[smem:$0x7FF] =	sst s2;
	s4 =	sadd.s32 $0x22200, s3  }
0x8: {  	s11 =	sand.u32 $0x1, s5;
	s5 =	sadd.s32 $0x22600, s3;
	s7 =	sshll.u32 s13, $0xB  }
0x9: {  	s6 =	sadd.s32 $0x22A00, s3;
	s12 =	sshll.u32 s13, $0x9;
	s13 =	sshll.u32 s13, $0x11  }
0xa: {  	_ =	strace $0x8000004A;
	s8 =	sshll.u32 s11, $0xA;
	s29 =	ssub.s32 $0x2, s11  }
0xb: {  	s30 =	sand.u32 $0x1800, s12;
	s31 =	sshll.u32 s11, $0x8;
	s14 =	sshll.u32 s11, $0x10  }
0xc: {  	s7 =	sor.u32 s8, s7;
	s9 =	sshrl.u32 s29, $0x1;
	s11 =	sor.u32 s31, s12  }
0xd: {  	s12 =	sor.u32 s14, s13;
	s13 =	simm.s32 $0x1;
	s14 =	simm.s32 $0x2000  }
0xe: {  	s3 =	sadd.s32 s7, s3;
	s10 =	ssub.s32 s29, s9;
	s7 =	sadd.s32 s0, s7  }
0xf: {  	v1 =	vimm.s32 $0x0;
	v0 =	vmov s30;
	s8 =	sadd.s32 $0x2200, s3;
	s9 =	sadd.s32 $0xA200, s3;
	s10 =	smax.u32 s10, $0x1  }
.LBB2_1:
0x10: {  	[tilespmem:s2], [sflag:$0x1] =	stream.linear.gather [hbm4b:s7+s2], $0x2000, $0x38;
	[tilespmem:$0xC800] =	vst v63  }
0x11: {  	_ =	swait.ge [sflag:s13], $0x2000  }
0x12: {  	[sflag:s13] =	ssyncset.done $0x0  }
0x13: {  	[sflag:s13] =	ssyncadd.s32 $0xFFFFE000  }
0x14: {  	[tilespmem:s14], [sflag:$0x1] =	stream.linear.gather [hbm4b:s4+s2], $0x2000, $0x38;
	[tilespmem:$0xC800] =	vst v63  }
0x15: {  	_ =	swait.ge [sflag:s13], $0x2000  }
0x16: {  	[sflag:s13] =	ssyncset.done $0x0  }
0x17: {  	[sflag:s13] =	ssyncadd.s32 $0xFFFFE000  }
0x18: {  	[tilespmem:s15], [sflag:$0x1] =	stream.linear.gather [hbm4b:s5+s2], $0x2000, $0x38;
	[tilespmem:$0xC800] =	vst v63  }
0x19: {  	_ =	swait.ge [sflag:s13], $0x2000  }
0x1a: {  	[sflag:s13] =	ssyncset.done $0x0  }
0x1b: {  	[sflag:s13] =	ssyncadd.s32 $0xFFFFE000  }
0x1c: {  	[tilespmem:s16], [sflag:$0x1] =	stream.linear.gather [hbm4b:s6+s2], $0x2000, $0x38;
	[tilespmem:$0xC800] =	vst v63  }
0x1d: {  	s0 =	sand.u32 $0x70, s2;
	_ =	swait.ge [sflag:s13], $0x2000  }
0x1e: {  	s3 =	sand.u32 $0xFFFF800, s12;
	s0 =	sadd.s32 s1, s0;
	[sflag:s13] =	ssyncset.done $0x0  }
0x1f: {  	s0 =	sadd.s32 s3, s0;
	[sflag:s13] =	ssyncadd.s32 $0xFFFFE000  }
0x20: {  	[tilespmem:s19], [sflag:$0x1] =	stream.strided.gather [hbm4b:s0+s17], $0x800, s18, s17, $0x38;
	[tilespmem:$0xC800] =	vst v63  }
0x21: {  	_ =	swait.ge [sflag:s13], $0x800  }
0x22: {  	[sflag:s13] =	ssyncset.done $0x0  }
0x23: {  	s24 =	simm.s32 $0x10;
	[sflag:s13] =	ssyncadd.s32 $0xFFFFF800  }
0x24: {  	v2 =	vld [tilespmem:s24+$0xFFFFFFF0];
	_ =	sdelay $0x2  }
0x25: {  	v3 =	vmov s11;
	_ =	sdelay $0x1  }
0x26: {  	v4 =	vadd.s32 v0, v2;
	_ =	sdelay $0x2  }
0x27: {  	v5 =	vld.idx.msk [tilespmem:v3+s15+$0x0], $0xffff  }
0x28: {  	v6 =	vld.idx.msk [tilespmem:v3+s14+$0x0], $0xffff  }
0x29: {  	v7 =	vld.idx.msk [tilespmem:v4+s14+$0x0], $0xffff  }
0x2a: {  	v3 =	vld.idx.msk [tilespmem:v3+s16+$0x0], $0xffff  }
0x2b: {  	v8 =	vld.idx.msk [tilespmem:v4+s16+$0x0], $0xffff  }
0x2c: {  	v4 =	vld.idx.msk [tilespmem:v4+s15+$0x0], $0xffff  }
0x2d: {  	v6 =	vadd.s32 $0x20, v6  }
0x2e: {  	v7 =	vsub.s32 v6, v7  }
0x2f: {  	v2 =	vld.idx.msk [tilespmem:v2+s19+$0x0], $0xffff;
	vm0 =	vgt.s32 v7, $0x0  }
0x30: {  	v7 =	vnsel vm0, $0x0, v7  }
0x31: {  	v8 =	vor.u32 v3, v8;
	vm12 =	veq.s32 v5, v4;
	v7 =	vmin.u32 v7, $0x40  }
0x32: {  	vm1 =	vgt.s32 v8, $0x0;
	v4 =	vnsel vm12, $0x41, v7  }
0x33: {  	v58 =	vsel vm1, $0x3F800000, v1;
	v4 =	vcvt.s32.f32 v4  }
0x34: {  	s25 =	simm.s32 $0x8810;
	v2 =	vmul.f32 v58, v2  }
0x35: {  	s26 =	simm.s32 $0xA810;
	[tilespmem:s25+$0xFFFFFFF0] =	vst v4  }
0x36: {  	[tilespmem:s26+$0xFFFFFFF0] =	vst v2  }
0x37: {  	v2 =	vld [tilespmem:s24+$0x0];
	_ =	sdelay $0x4  }
0x38: {  	v59 =	vadd.s32 v0, v2;
	_ =	sdelay $0x4  }
0x39: {  	v60 =	vld.idx.msk [tilespmem:v59+s14+$0x0], $0xffff;
	_ =	sdelay $0x2  }
0x3a: {  	v61 =	vld.idx.msk [tilespmem:v59+s15+$0x0], $0xffff  }
0x3b: {  	v4 =	vld.idx.msk [tilespmem:v59+s16+$0x0], $0xffff  }
0x3c: {  	v6 =	vsub.s32 v6, v60  }
0x3d: {  	vm13 =	vgt.s32 v6, $0x0  }
0x3e: {  	v2 =	vld.idx.msk [tilespmem:v2+s19+$0x0], $0xffff;
	v6 =	vnsel vm13, $0x0, v6  }
0x3f: {  	vm14 =	veq.s32 v5, v61;
	v6 =	vmin.u32 v6, $0x40  }
0x40: {  	s31 =	simm.s32 $0x10;
	v3 =	vor.u32 v3, v4;
	v62 =	vnsel vm14, $0x41, v6  }
0x41: {  	s30 =	simm.s32 $0x20;
	s23 =	simm.s32 $0xA830;
	s20 =	sand.u32 $0x70, s31;
	vm15 =	vgt.s32 v3, $0x0;
	v3 =	vcvt.s32.f32 v62  }
0x42: {  	s29 =	sadd.s32 $0x100, s12;
	s28 =	smov.u32 s11;
	s20 =	sadd.s32 s1, s20;
	v63 =	vsel vm15, $0x3F800000, v1  }
0x43: {  	s0 =	sand.u32 $0xFFFF800, s29;
	s24 =	simm.s32 $0x8830;
	v2 =	vmul.f32 v63, v2;
	[tilespmem:s25+$0x0] =	vst v3;
	s25 =	simm.s32 $0x30  }
.LBB2_2:
0x44: {  	s20 =	sadd.s32 s0, s20;
	s28 =	sadd.s32 $0x1, s28;
	s0 =	smov.u32 s30  }
0x45: {  	[tilespmem:s26+$0x0] =	vst v2;
	s3 =	sadd.s32 $0x10, s30;
	s26 =	smov.u32 s23;
	s31 =	smov.u32 s24  }
0x46: {  	[tilespmem:s19], [sflag:$0x1] =	stream.strided.gather [hbm4b:s20+s17], $0x800, s18, s17, $0x38;
	[tilespmem:$0xC800] =	vst v63  }
0x47: {  	p0 =	sne.s32 s30, $0xFF0;
	_ =	swait.ge [sflag:s13], $0x800  }
0x48: {  	[sflag:s13] =	ssyncset.done $0x0  }
0x49: {  	[sflag:s13] =	ssyncadd.s32 $0xFFFFF800  }
0x4a: {  	v2 =	vld [tilespmem:s25+$0xFFFFFFF0];
	_ =	sdelay $0x2  }
0x4b: {  	v3 =	vmov s28;
	_ =	sdelay $0x1  }
0x4c: {  	v4 =	vadd.s32 v0, v2;
	_ =	sdelay $0x2  }
0x4d: {  	v5 =	vld.idx.msk [tilespmem:v3+s15+$0x0], $0xffff  }
0x4e: {  	v6 =	vld.idx.msk [tilespmem:v3+s14+$0x0], $0xffff  }
0x4f: {  	v7 =	vld.idx.msk [tilespmem:v4+s14+$0x0], $0xffff  }
0x50: {  	v3 =	vld.idx.msk [tilespmem:v3+s16+$0x0], $0xffff  }
0x51: {  	v8 =	vld.idx.msk [tilespmem:v4+s16+$0x0], $0xffff  }
0x52: {  	v4 =	vld.idx.msk [tilespmem:v4+s15+$0x0], $0xffff;
	_ =	sdelay $0x1  }
0x53: {  	v6 =	vadd.s32 $0x20, v6  }
0x54: {  	v7 =	vsub.s32 v6, v7;
	v2 =	vld.idx.msk [tilespmem:v2+s19+$0x0], $0xffff  }
0x55: {  	vm0 =	vgt.s32 v7, $0x0  }
0x56: {  	v7 =	vnsel vm0, $0x0, v7;
	v8 =	vor.u32 v3, v8  }
0x57: {  	v7 =	vmin.u32 v7, $0x40;
	vm0 =	veq.s32 v5, v4;
	vm1 =	vgt.s32 v8, $0x0  }
0x58: {  	v4 =	vnsel vm0, $0x41, v7;
	v7 =	vsel vm1, $0x3F800000, v1  }
0x59: {  	v4 =	vcvt.s32.f32 v4  }
0x5a: {  	v2 =	vmul.f32 v7, v2  }
0x5b: {  	[tilespmem:s24+$0xFFFFFFF0] =	vst v4  }
0x5c: {  	[tilespmem:s23+$0xFFFFFFF0] =	vst v2  }
0x5d: {  	v2 =	vld [tilespmem:s25+$0x0];
	_ =	sdelay $0x4  }
0x5e: {  	v4 =	vadd.s32 v0, v2;
	_ =	sdelay $0x2  }
0x5f: {  	v2 =	vld.idx.msk [tilespmem:v2+s19+$0x0], $0xffff;
	_ =	sdelay $0x1  }
0x60: {  	v7 =	vld.idx.msk [tilespmem:v4+s14+$0x0], $0xffff  }
0x61: {  	v8 =	vld.idx.msk [tilespmem:v4+s15+$0x0], $0xffff  }
0x62: {  	v4 =	vld.idx.msk [tilespmem:v4+s16+$0x0], $0xffff;
	_ =	sdelay $0x3  }
0x63: {  	v6 =	vsub.s32 v6, v7  }
0x64: {  	vm0 =	vgt.s32 v6, $0x0  }
0x65: {  	v6 =	vnsel vm0, $0x0, v6;
	v3 =	vor.u32 v3, v4  }
.Ltmp0:
0x66: {  	vm0 =	veq.s32 v5, v8;
	v4 =	vmin.u32 v6, $0x40;
	vm1 =	vgt.s32 v3, $0x0;
	(pc) =	sbr.rel @p0 .LBB2_2-.Ltmp0, $4  }
0x67: {  	v3 =	vnsel vm0, $0x41, v4;
	v4 =	vsel vm1, $0x3F800000, v1  }
0x68: {  	s29 =	sadd.s32 $0x100, s29;
	s23 =	sadd.s32 $0x20, s23;
	v3 =	vcvt.s32.f32 v3  }
0x69: {  	s20 =	sand.u32 $0x70, s0;
	s0 =	sand.u32 $0xFFFF800, s29;
	s24 =	sadd.s32 $0x20, s24;
	v2 =	vmul.f32 v4, v2  }
0x6a: {  	s30 =	smov.u32 s3;
	s20 =	sadd.s32 s1, s20;
	s25 =	sadd.s32 $0x20, s25;
	[tilespmem:s31+$0x0] =	vst v3  }
0x6b: {  	s0 =	sadd.s32 s0, s20;
	[tilespmem:s26+$0x0] =	vst v2  }
0x6c: {  	[tilespmem:s19], [sflag:$0x1] =	stream.strided.gather [hbm4b:s0+s17], $0x800, s18, s17, $0x38;
	[tilespmem:$0xC800] =	vst v63  }
0x6d: {  	_ =	swait.ge [sflag:s13], $0x800  }
0x6e: {  	[sflag:s13] =	ssyncset.done $0x0  }
0x6f: {  	[sflag:s13] =	ssyncadd.s32 $0xFFFFF800  }
0x70: {  	v2 =	vld [tilespmem:s25+$0xFFFFFFF0];
	_ =	sdelay $0x1  }
0x71: {  	s30 =	sadd.s32 $0x1, s28  }
0x72: {  	v3 =	vmov s30;
	_ =	sdelay $0x1  }
0x73: {  	v4 =	vadd.s32 v0, v2;
	_ =	sdelay $0x2  }
0x74: {  	v5 =	vld.idx.msk [tilespmem:v3+s15+$0x0], $0xffff  }
0x75: {  	v6 =	vld.idx.msk [tilespmem:v3+s14+$0x0], $0xffff  }
0x76: {  	v7 =	vld.idx.msk [tilespmem:v4+s14+$0x0], $0xffff  }
0x77: {  	v3 =	vld.idx.msk [tilespmem:v3+s16+$0x0], $0xffff  }
0x78: {  	v8 =	vld.idx.msk [tilespmem:v4+s16+$0x0], $0xffff  }
0x79: {  	v4 =	vld.idx.msk [tilespmem:v4+s15+$0x0], $0xffff  }
0x7a: {  	v6 =	vadd.s32 $0x20, v6  }
0x7b: {  	v7 =	vsub.s32 v6, v7  }
0x7c: {  	v2 =	vld.idx.msk [tilespmem:v2+s19+$0x0], $0xffff;
	vm0 =	vgt.s32 v7, $0x0  }
0x7d: {  	v7 =	vnsel vm0, $0x0, v7  }
0x7e: {  	v8 =	vor.u32 v3, v8;
	vm12 =	veq.s32 v5, v4;
	v7 =	vmin.u32 v7, $0x40  }
0x7f: {  	vm1 =	vgt.s32 v8, $0x0;
	v4 =	vnsel vm12, $0x41, v7  }
0x80: {  	v58 =	vsel vm1, $0x3F800000, v1;
	v4 =	vcvt.s32.f32 v4  }
0x81: {  	v2 =	vmul.f32 v58, v2  }
0x82: {  	[tilespmem:s24+$0xFFFFFFF0] =	vst v4  }
0x83: {  	[tilespmem:s23+$0xFFFFFFF0] =	vst v2  }
0x84: {  	v2 =	vld [tilespmem:s25+$0x0];
	_ =	sdelay $0x4  }
0x85: {  	v59 =	vadd.s32 v0, v2;
	_ =	sdelay $0x4  }
0x86: {  	v60 =	vld.idx.msk [tilespmem:v59+s14+$0x0], $0xffff;
	_ =	sdelay $0x1  }
0x87: {  	v61 =	vld.idx.msk [tilespmem:v59+s15+$0x0], $0xffff  }
0x88: {  	v4 =	vld.idx.msk [tilespmem:v59+s16+$0x0], $0xffff;
	_ =	sdelay $0x1  }
0x89: {  	v6 =	vsub.s32 v6, v60  }
0x8a: {  	v2 =	vld.idx.msk [tilespmem:v2+s19+$0x0], $0xffff;
	vm13 =	vgt.s32 v6, $0x0  }
0x8b: {  	v6 =	vnsel vm13, $0x0, v6  }
0x8c: {  	v3 =	vor.u32 v3, v4;
	vm14 =	veq.s32 v5, v61;
	v62 =	vmin.u32 v6, $0x40  }
0x8d: {  	vm15 =	vgt.s32 v3, $0x0;
	v3 =	vnsel vm14, $0x41, v62  }
0x8e: {  	v63 =	vsel vm15, $0x3F800000, v1;
	v3 =	vcvt.s32.f32 v3  }
0x8f: {  	v2 =	vmul.f32 v63, v2  }
0x90: {  	[tilespmem:s24+$0x0] =	vst v3  }
0x91: {  	s31 =	simm.s32 $0x8800;
	[tilespmem:s23+$0x0] =	vst v2  }
0x92: {  	[hbm4b:s8+s2] =	stream.linear.scatter [tilespmem:s31], [sflag:$0x1], $0x2000, $0x38;
	[tilespmem:$0xC800] =	vst v63  }
0x93: {  	s22 =	sadd.s32 $0x1, s22;
	_ =	swait.ge [sflag:s13], $0x2000  }
0x94: {  	p0 =	sne.s32 s22, s10;
	[sflag:s13] =	ssyncset.done $0x0  }
.Ltmp1:
0x95: {  	[sflag:s13] =	ssyncadd.s32 $0xFFFFE000;
	(pc) =	sbr.rel @p0 .LBB2_1-.Ltmp1, $4  }
0x96: {  	[hbm4b:s9+s2] =	stream.linear.scatter [tilespmem:s21], [sflag:$0x1], $0x2000, $0x38;
	[tilespmem:$0xC800] =	vst v63  }
0x97: {  	_ =	swait.ge [sflag:s13], $0x2000  }
0x98: {  	[sflag:s13] =	ssyncset.done $0x0  }
0x99: {  	[sflag:s13] =	ssyncadd.s32 $0xFFFFE000  }
0x9a: {  	_ =	sfence.sel $0x180000  }
0x9b: {  	[bflag:$0x0] =	sbarrier.arrive $0xFFFF  }
0x9c: {  	_ =	strace $0x9000004A  }
0x9d: {  	s0 =	stileid.u32;
	[bflag:$0x2] =	sbarrier.arrive $0xFFFF  }
0x9e: {  	p0 =	sne.s32 s0, $0x0;
	s0 =	rddreg [dreg:$0x3]  }
0x9f: {  	s0 =	sadd.s32 @!p0 $0x100000, s0  }
0xa0: {  	[sflag:s0] =	ssyncadd.tile.s32 @!p0 $0x1;
	_ =	shalt  }
.Lfunc_end2:
_tile_overlayer_lowered:
.L_overlay_start_2:
0xa1: {  	(tag) =	ssettag $0x2  }
0xa2: {  	s0 =	rddreg [dreg:$0x0];
	s2 =	stileid.u32  }
0xa3: {  	s1 =	rddreg [dreg:$0x1];
	p0 =	sne.s32 s2, $0x0  }
0xa4: {  	s3 =	rddreg [dreg:$0x2];
	[bflag:$0x3] =	sbarrier.arrive $0xFFFF;
	s2 =	simm.s32 @!p0 $0x1C01  }
0xa5: {  	[timem:s3], [sflag:s2] =	dma.local @!p0 [hbm:s0], s1  }
0xa6: {  	s0 =	simm.s32 @!p0 $0x1  }
0xa7: {  	_ =	swait.ge @!p0 [sflag:s0], s1  }
0xa8: {  	s1 =	ssub.s32 @!p0 $0x0, s1;
	[sflag:s0] =	ssyncset.done @!p0 $0x0  }
0xa9: {  	[sflag:s0] =	ssyncadd.s32 @!p0 s1  }
0xaa: {  	[bflag:$0x3] =	sbarrier.arrive $0xFFFF  }
0xab: {  	_ =	shalt  }

</sc_bundles>
